<compile_context>
chip_gen: v7x
topology: tpu7x:2x2x1
jax: 0.10.2.dev20260603
libtpu: 0.0.44.dev20260713+nightly
codegen_flags: <defaults>
</compile_context>

<pallas_src>
import functools

import jax
import jax.numpy as jnp
from jax import lax
from jax.experimental import pallas as pl
from jax.experimental.pallas import tpu as pltpu
from jax.experimental.pallas import tpu_sc as plsc

B = 16384
MF = 64
HALF = 64
BD = 768
H1 = 64
CW = MF + H1
NROWS = 100000

NC = 2
NS = 16
NW = NC * NS
BPW = B // NW

_DOT = functools.partial(jnp.dot, preferred_element_type=jnp.float32,
                         precision=lax.Precision.DEFAULT)


RT = 4096


def _pre_body(ugT_r, umT_r, igT_r, imT_r, tab_r):
    ub = jnp.concatenate([ugT_r[...], umT_r[...]], axis=0).T
    ib = jnp.concatenate([igT_r[...], imT_r[...]], axis=0).T
    ul = lax.bitcast_convert_type(ub.astype(jnp.bfloat16),
                                  jnp.uint16).astype(jnp.uint32)
    il = lax.bitcast_convert_type(ib.astype(jnp.bfloat16),
                                  jnp.uint16).astype(jnp.uint32)
    tab_r[...] = lax.bitcast_convert_type(ul | (il << 16), jnp.int32)


def _tc_pre(ugT, umT, igT, imT):
    col = lambda i: (0, i)
    row = lambda i: (i, 0)
    return pl.pallas_call(
        _pre_body,
        grid=(pl.cdiv(NROWS, RT),),
        in_specs=[
            pl.BlockSpec((MF, RT), col),
            pl.BlockSpec((HALF, RT), col),
            pl.BlockSpec((MF, RT), col),
            pl.BlockSpec((HALF, RT), col),
        ],
        out_specs=pl.BlockSpec((RT, CW), row),
        out_shape=jax.ShapeDtypeStruct((NROWS, CW), jnp.int32),
    )(ugT, umT, igT, imT)


def _sc_gather_bert(item_idx, bert):
    mesh = plsc.VectorSubcoreMesh(core_axis_name="c", subcore_axis_name="s")
    CH = 64
    NCH = BPW // CH

    @functools.partial(
        pl.kernel, mesh=mesh,
        out_type=jax.ShapeDtypeStruct((B, BD), jnp.float32),
        scratch_types=[
            pltpu.VMEM((BPW,), jnp.int32),
            pltpu.VMEM((CH, BD), jnp.float32),
            pltpu.VMEM((CH, BD), jnp.float32),
            pltpu.SemaphoreType.DMA,
            pltpu.SemaphoreType.DMA,
        ])
    def k(iidx_h, bert_h, obert_h, iidx_v, buf_a, buf_b, sem_a, sem_b):
        wid = lax.axis_index("s") * NC + lax.axis_index("c")
        base = wid * BPW
        pltpu.sync_copy(iidx_h.at[pl.ds(base, BPW)], iidx_v)

        pltpu.async_copy(bert_h.at[iidx_v.at[pl.ds(0, CH)]], buf_a, sem_a)

        @pl.loop(0, NCH // 2)
        def _(ci):
            off_a = 2 * ci * CH
            off_b = off_a + CH
            pltpu.make_async_copy(bert_h.at[iidx_v.at[pl.ds(off_a, CH)]],
                                  buf_a, sem_a).wait()
            pltpu.async_copy(bert_h.at[iidx_v.at[pl.ds(off_b, CH)]],
                             buf_b, sem_b)
            pltpu.sync_copy(buf_a, obert_h.at[pl.ds(base + off_a, CH)])
            pltpu.make_async_copy(bert_h.at[iidx_v.at[pl.ds(off_b, CH)]],
                                  buf_b, sem_b).wait()

            @pl.when(ci < NCH // 2 - 1)
            def _():
                pltpu.async_copy(
                    bert_h.at[iidx_v.at[pl.ds(off_b + CH, CH)]], buf_a, sem_a)

            pltpu.sync_copy(buf_b, obert_h.at[pl.ds(base + off_b, CH)])

    return k(item_idx, bert)


def _sc_gather_ui(user_idx, item_idx, tab):
    mesh = plsc.VectorSubcoreMesh(core_axis_name="c", subcore_axis_name="s")
    CH = 128
    NCH = BPW // CH

    @functools.partial(
        pl.kernel, mesh=mesh,
        out_type=[jax.ShapeDtypeStruct((B, CW), jnp.int32),
                  jax.ShapeDtypeStruct((B, CW), jnp.int32)],
        scratch_types=[
            pltpu.VMEM((BPW,), jnp.int32),
            pltpu.VMEM((BPW,), jnp.int32),
            pltpu.VMEM((CH, CW), jnp.int32),
            pltpu.VMEM((CH, CW), jnp.int32),
            pltpu.SemaphoreType.DMA,
            pltpu.SemaphoreType.DMA,
        ])
    def k(uidx_h, iidx_h, tab_h, ou_h, oi_h,
          uidx_v, iidx_v, bu_v, bi_v, sem_u, sem_i):
        wid = lax.axis_index("s") * NC + lax.axis_index("c")
        base = wid * BPW
        pltpu.sync_copy(uidx_h.at[pl.ds(base, BPW)], uidx_v)
        pltpu.sync_copy(iidx_h.at[pl.ds(base, BPW)], iidx_v)

        @pl.loop(0, NCH)
        def _(ci):
            off = ci * CH
            cu = pltpu.async_copy(tab_h.at[uidx_v.at[pl.ds(off, CH)]],
                                  bu_v, sem_u)
            cit = pltpu.async_copy(tab_h.at[iidx_v.at[pl.ds(off, CH)]],
                                   bi_v, sem_i)
            cu.wait()
            cit.wait()
            dst = pl.ds(base + off, CH)
            pltpu.sync_copy(bu_v, ou_h.at[dst])
            pltpu.sync_copy(bi_v, oi_h.at[dst])

    return k(user_idx, item_idx, tab)


BT = 1024


def _unpack_lo(x):
    lo = lax.bitcast_convert_type(x, jnp.uint32) & jnp.uint32(0xFFFF)
    return lax.bitcast_convert_type(lo.astype(jnp.uint16),
                                    jnp.bfloat16).astype(jnp.float32)


def _unpack_hi(x):
    hi = lax.bitcast_convert_type(x, jnp.uint32) >> 16
    return lax.bitcast_convert_type(hi.astype(jnp.uint16),
                                    jnp.bfloat16).astype(jnp.float32)


def _tc_body(u_r, i_r, bt_r, w1u_r, w1i_r, w1b_r, b1_r, w2a_r, w2b_r, b2_r,
             o_r):
    u = _unpack_lo(u_r[...])
    it = _unpack_hi(i_r[...])
    h = (_DOT(u[:, MF:], w1u_r[...]) + _DOT(it[:, MF:], w1i_r[...])
         + _DOT(bt_r[...], w1b_r[...]) + b1_r[...])
    h = jnp.maximum(h, 0.0)
    g = u[:, :MF] * it[:, :MF]
    o = (jnp.sum(g * w2a_r[...], axis=1, keepdims=True)
         + jnp.sum(h * w2b_r[...], axis=1, keepdims=True) + b2_r[...])
    o_r[...] = o


def _tc_main(ug, ig, bertg, w1u, w1i, w1b, b1, W2, b2):
    b1r = b1.reshape(1, H1)
    w2a = W2[:MF, 0].reshape(1, MF)
    w2b = W2[MF:, 0].reshape(1, H1)
    b2r = b2.reshape(1, 1)

    row = lambda i: (i, 0)
    fixed = lambda i: (0, 0)
    return pl.pallas_call(
        _tc_body,
        grid=(B // BT,),
        in_specs=[
            pl.BlockSpec((BT, CW), row),
            pl.BlockSpec((BT, CW), row),
            pl.BlockSpec((BT, BD), row),
            pl.BlockSpec((HALF, H1), fixed),
            pl.BlockSpec((HALF, H1), fixed),
            pl.BlockSpec((BD, H1), fixed),
            pl.BlockSpec((1, H1), fixed),
            pl.BlockSpec((1, MF), fixed),
            pl.BlockSpec((1, H1), fixed),
            pl.BlockSpec((1, 1), fixed),
        ],
        out_specs=pl.BlockSpec((BT, 1), row),
        out_shape=jax.ShapeDtypeStruct((B, 1), jnp.float32),
    )(ug, ig, bertg, w1u, w1i, w1b, b1r, w2a, w2b, b2r)


def kernel(user_idx, item_idx, user_emb_gmf, item_emb_gmf, user_emb_mlp,
           item_emb_mlp, item_bert, W1, b1, W2, b2):
    user_idx = user_idx.astype(jnp.int32)
    item_idx = item_idx.astype(jnp.int32)
    w1u = W1[:HALF]
    w1i = W1[HALF:2 * HALF]
    w1b = W1[2 * HALF:]
    bertg = _sc_gather_bert(item_idx, item_bert)
    ptab = _tc_pre(user_emb_gmf.T, user_emb_mlp.T, item_emb_gmf.T,
                   item_emb_mlp.T)
    ptab, bertg = lax.optimization_barrier((ptab, bertg))
    utg, itg = _sc_gather_ui(user_idx, item_idx, ptab)
    return _tc_main(utg, itg, bertg, w1u, w1i, w1b, b1, W2, b2)

# --- scband reference (transcript-rebuilt; emitter-appended) ---
"""Pipeline reference for scband-neu-mfwith-bert-39814346834047 (READ-ONLY COPY).

The authoritative reference and input builder live on the scoring server;
editing this copy changes nothing except your own understanding.
"""

import jax, jax.numpy as jnp
import numpy as np

NUM_USERS = 100000
NUM_ITEMS = 100000
MF_DIM = 64
MLP0 = 128
MLP1 = 64
BERT_DIM = 768
BATCH = 16384


def setup_inputs(seed: int = 0) -> dict:
    key = jax.random.key(seed)
    ks = jax.random.split(key, 11)
    return {
        "user_idx": jax.random.randint(ks[0], (BATCH,), 0, NUM_USERS),
        "item_idx": jax.random.randint(ks[1], (BATCH,), 0, NUM_ITEMS),
        "user_emb_gmf": jax.random.normal(ks[2], (NUM_USERS, MF_DIM), jnp.float32) * 0.02,
        "item_emb_gmf": jax.random.normal(ks[3], (NUM_ITEMS, MF_DIM), jnp.float32) * 0.02,
        "user_emb_mlp": jax.random.normal(ks[4], (NUM_USERS, MLP0 // 2), jnp.float32) * 0.02,
        "item_emb_mlp": jax.random.normal(ks[5], (NUM_ITEMS, MLP0 // 2), jnp.float32) * 0.02,
        "item_bert": jax.random.normal(ks[6], (NUM_ITEMS, BERT_DIM), jnp.float32) * 0.02,
        "W1": jax.random.normal(ks[7], (MLP0 + BERT_DIM, MLP1), jnp.float32) * (1.0 / np.sqrt(MLP0 + BERT_DIM)),
        "b1": jnp.zeros((MLP1,), jnp.float32),
        "W2": jax.random.normal(ks[8], (MF_DIM + MLP1, 1), jnp.float32) * (1.0 / np.sqrt(MF_DIM + MLP1)),
        "b2": jnp.zeros((1,), jnp.float32),
    }


def reference(user_idx, item_idx, user_emb_gmf, item_emb_gmf, user_emb_mlp,
              item_emb_mlp, item_bert, W1, b1, W2, b2):
    # GMF branch: elementwise product of gathered embeddings
    gmf = jnp.take(user_emb_gmf, user_idx, axis=0) * jnp.take(item_emb_gmf, item_idx, axis=0)
    # MLP branch: concat user/item MLP embeddings with frozen BERT item features
    u_mlp = jnp.take(user_emb_mlp, user_idx, axis=0)
    i_mlp = jnp.take(item_emb_mlp, item_idx, axis=0)
    i_bert = jnp.take(item_bert, item_idx, axis=0)
    mlp_input = jnp.concatenate([u_mlp, i_mlp, i_bert], axis=-1)
    mlp_out = jax.nn.relu(mlp_input @ W1 + b1)  # Dropout(0.2) is identity at inference
    final_input = jnp.concatenate([gmf, mlp_out], axis=-1)
    return final_input @ W2 + b2

if __name__ == "__main__":
    import jax
    _d = setup_inputs()
    print(jax.jit(kernel)(*tuple(_d.values())))

</pallas_src>

<mosaic_0001>
#map = affine_map<(d0, d1) -> (0)>
#map1 = affine_map<(d0, d1) -> (0, 0)>
module attributes {stable_mosaic.version = 14 : i64} {
  func.func @k(%arg0: i32, %arg1: i32, %arg2: memref<16384xi32, #tpu.memory_space<hbm>>, %arg3: memref<100000x768xf32, #tpu.memory_space<hbm>>, %arg4: memref<16384x768xf32, #tpu.memory_space<hbm>>, %arg5: memref<512xi32, #tpu.memory_space<vmem>>, %arg6: memref<64x768xf32, #tpu.memory_space<vmem>>, %arg7: memref<64x768xf32, #tpu.memory_space<vmem>>, %arg8: memref<!tpu.dma_semaphore, #tpu.memory_space<semaphore_mem>>, %arg9: memref<!tpu.dma_semaphore, #tpu.memory_space<semaphore_mem>>) attributes {dimension_semantics = [#tpu.dimension_semantics<core_parallel>, #tpu.dimension_semantics<subcore_parallel>], iteration_bounds = array<i64: 2, 16>, scalar_prefetch = 0 : i64, scratch_operands = 5 : i64, tpu.core_type = #tpu.core_type<sc_vector_subcore>, window_params = [{transform_indices = #map}, {transform_indices = #map1}, {transform_indices = #map1}]} {
    %mul3A = arith.constant 2 : i32
    %mul3A_0 = arith.muli %arg1, %mul3A : i32
    %add3A = arith.addi %mul3A_0, %arg0 : i32
    %mul3A_1 = arith.constant 512 : i32
    %mul3A_2 = arith.muli %add3A, %mul3A_1 : i32
    "tpu.region"() ({
      %run_scoped3A = tpu.sem_alloc : memref<!tpu.dma_semaphore, #tpu.memory_space<semaphore_mem>>
      %dma_start3A_11 = tpu.memref_slice %arg2[%mul3A_2] : memref<16384xi32, #tpu.memory_space<hbm>> -> memref<512xi32, #tpu.memory_space<hbm>>
      %dma_start3A_12 = tpu.memref_slice %arg2[%mul3A_2] : memref<16384xi32, #tpu.memory_space<hbm>> -> memref<512xi32, #tpu.memory_space<hbm>>
      tpu.enqueue_dma source(%dma_start3A_12 : memref<512xi32, #tpu.memory_space<hbm>>) target(%arg5 : memref<512xi32, #tpu.memory_space<vmem>>) target_semaphore(%run_scoped3A : memref<!tpu.dma_semaphore, #tpu.memory_space<semaphore_mem>>)
      %dma_wait3A = tpu.memref_slice %arg2[%mul3A_2] : memref<16384xi32, #tpu.memory_space<hbm>> -> memref<512xi32, #tpu.memory_space<hbm>>
      %dma_wait3A_13 = tpu.memref_slice %arg2[%mul3A_2] : memref<16384xi32, #tpu.memory_space<hbm>> -> memref<512xi32, #tpu.memory_space<hbm>>
      tpu.wait_dma2 semaphore(%run_scoped3A : memref<!tpu.dma_semaphore, #tpu.memory_space<semaphore_mem>>) src(%dma_wait3A_13 : memref<512xi32, #tpu.memory_space<hbm>>) dst(%arg5 : memref<512xi32, #tpu.memory_space<vmem>>)
      tpu.yield
    }) : () -> ()
    %dma_start3A = arith.constant 0 : i32
    %dma_start3A_3 = tpu.memref_slice %arg5[%dma_start3A] : memref<512xi32, #tpu.memory_space<vmem>> -> memref<64xi32, #tpu.memory_space<vmem>>
    %dma_start3A_4 = arith.constant 0 : i32
    %dma_start3A_5 = arith.constant 0 : i32
    %dma_start3A_6 = tpu.memref_slice %arg3[%dma_start3A_4, %dma_start3A_5] : memref<100000x768xf32, #tpu.memory_space<hbm>> -> memref<100000x768xf32, #tpu.memory_space<hbm>>
    tpu.enqueue_indirect_dma source(%dma_start3A_6 : memref<100000x768xf32, #tpu.memory_space<hbm>>) target(%arg6 : memref<64x768xf32, #tpu.memory_space<vmem>>) offsets(%dma_start3A_3 : memref<64xi32, #tpu.memory_space<vmem>>) semaphore(%arg8 : memref<!tpu.dma_semaphore, #tpu.memory_space<semaphore_mem>>)
    %scan3A = arith.constant 0 : i32
    %scan3A_7 = arith.constant 4 : i32
    %scan3A_8 = arith.addi %scan3A, %scan3A_7 : i32
    %scan3A_9 = arith.constant 1 : i32
    scf.for %scan3A_11 = %scan3A to %scan3A_8 step %scan3A_9  : i32 {
      %mul3A_12 = arith.constant 1 : i32
      %mul3A_13 = arith.muli %scan3A_11, %mul3A_12 : i32
      %add3A_14 = arith.constant 0 : i32
      %add3A_15 = arith.addi %add3A_14, %mul3A_13 : i32
      %mul3A_16 = arith.constant 2 : i32
      %mul3A_17 = arith.muli %mul3A_16, %add3A_15 : i32
      %mul3A_18 = arith.constant 64 : i32
      %mul3A_19 = arith.muli %mul3A_17, %mul3A_18 : i32
      %add3A_20 = arith.constant 64 : i32
      %add3A_21 = arith.addi %mul3A_19, %add3A_20 : i32
      %dma_wait3A = tpu.memref_slice %arg5[%mul3A_19] : memref<512xi32, #tpu.memory_space<vmem>> -> memref<64xi32, #tpu.memory_space<vmem>>
      %dma_wait3A_22 = arith.constant 0 : i32
      %dma_wait3A_23 = arith.constant 0 : i32
      %dma_wait3A_24 = tpu.memref_slice %arg3[%dma_wait3A_22, %dma_wait3A_23] : memref<100000x768xf32, #tpu.memory_space<hbm>> -> memref<100000x768xf32, #tpu.memory_space<hbm>>
      tpu.wait_indirect_dma semaphore(%arg8 : memref<!tpu.dma_semaphore, #tpu.memory_space<semaphore_mem>>) src(%dma_wait3A_24 : memref<100000x768xf32, #tpu.memory_space<hbm>>) dst(%arg6 : memref<64x768xf32, #tpu.memory_space<vmem>>)
      %dma_start3A_25 = tpu.memref_slice %arg5[%add3A_21] : memref<512xi32, #tpu.memory_space<vmem>> -> memref<64xi32, #tpu.memory_space<vmem>>
      %dma_start3A_26 = arith.constant 0 : i32
      %dma_start3A_27 = arith.constant 0 : i32
      %dma_start3A_28 = tpu.memref_slice %arg3[%dma_start3A_26, %dma_start3A_27] : memref<100000x768xf32, #tpu.memory_space<hbm>> -> memref<100000x768xf32, #tpu.memory_space<hbm>>
      tpu.enqueue_indirect_dma source(%dma_start3A_28 : memref<100000x768xf32, #tpu.memory_space<hbm>>) target(%arg7 : memref<64x768xf32, #tpu.memory_space<vmem>>) offsets(%dma_start3A_25 : memref<64xi32, #tpu.memory_space<vmem>>) semaphore(%arg9 : memref<!tpu.dma_semaphore, #tpu.memory_space<semaphore_mem>>)
      %add3A_29 = arith.addi %mul3A_2, %mul3A_19 : i32
      "tpu.region"() ({
        %run_scoped3A = tpu.sem_alloc : memref<!tpu.dma_semaphore, #tpu.memory_space<semaphore_mem>>
        %dma_start3A_37 = arith.constant 0 : i32
        %dma_start3A_38 = tpu.memref_slice %arg4[%add3A_29, %dma_start3A_37] : memref<16384x768xf32, #tpu.memory_space<hbm>> -> memref<64x768xf32, #tpu.memory_space<hbm>>
        %dma_start3A_39 = arith.constant 0 : i32
        %dma_start3A_40 = tpu.memref_slice %arg4[%add3A_29, %dma_start3A_39] : memref<16384x768xf32, #tpu.memory_space<hbm>> -> memref<64x768xf32, #tpu.memory_space<hbm>>
        tpu.enqueue_dma source(%arg6 : memref<64x768xf32, #tpu.memory_space<vmem>>) target(%dma_start3A_40 : memref<64x768xf32, #tpu.memory_space<hbm>>) target_semaphore(%run_scoped3A : memref<!tpu.dma_semaphore, #tpu.memory_space<semaphore_mem>>)
        %dma_wait3A_41 = arith.constant 0 : i32
        %dma_wait3A_42 = tpu.memref_slice %arg4[%add3A_29, %dma_wait3A_41] : memref<16384x768xf32, #tpu.memory_space<hbm>> -> memref<64x768xf32, #tpu.memory_space<hbm>>
        %dma_wait3A_43 = arith.constant 0 : i32
        %dma_wait3A_44 = tpu.memref_slice %arg4[%add3A_29, %dma_wait3A_43] : memref<16384x768xf32, #tpu.memory_space<hbm>> -> memref<64x768xf32, #tpu.memory_space<hbm>>
        tpu.wait_dma2 semaphore(%run_scoped3A : memref<!tpu.dma_semaphore, #tpu.memory_space<semaphore_mem>>) src(%arg6 : memref<64x768xf32, #tpu.memory_space<vmem>>) dst(%dma_wait3A_44 : memref<64x768xf32, #tpu.memory_space<hbm>>)
        tpu.yield
      }) : () -> ()
      %dma_wait3A_30 = tpu.memref_slice %arg5[%add3A_21] : memref<512xi32, #tpu.memory_space<vmem>> -> memref<64xi32, #tpu.memory_space<vmem>>
      %dma_wait3A_31 = arith.constant 0 : i32
      %dma_wait3A_32 = arith.constant 0 : i32
      %dma_wait3A_33 = tpu.memref_slice %arg3[%dma_wait3A_31, %dma_wait3A_32] : memref<100000x768xf32, #tpu.memory_space<hbm>> -> memref<100000x768xf32, #tpu.memory_space<hbm>>
      tpu.wait_indirect_dma semaphore(%arg9 : memref<!tpu.dma_semaphore, #tpu.memory_space<semaphore_mem>>) src(%dma_wait3A_33 : memref<100000x768xf32, #tpu.memory_space<hbm>>) dst(%arg7 : memref<64x768xf32, #tpu.memory_space<vmem>>)
      %lt3A = arith.constant 3 : i32
      %lt3A_34 = arith.cmpi slt, %add3A_15, %lt3A : i32
      %convert_element_type3A = arith.extui %lt3A_34 : i1 to i32
      %cond3A = arith.constant 0 : i32
      %cond3A_35 = arith.cmpi ne, %convert_element_type3A, %cond3A : i32
      scf.if %cond3A_35 {
        %add3A_37 = arith.constant 64 : i32
        %add3A_38 = arith.addi %add3A_21, %add3A_37 : i32
        %dma_start3A_39 = tpu.memref_slice %arg5[%add3A_38] : memref<512xi32, #tpu.memory_space<vmem>> -> memref<64xi32, #tpu.memory_space<vmem>>
        %dma_start3A_40 = arith.constant 0 : i32
        %dma_start3A_41 = arith.constant 0 : i32
        %dma_start3A_42 = tpu.memref_slice %arg3[%dma_start3A_40, %dma_start3A_41] : memref<100000x768xf32, #tpu.memory_space<hbm>> -> memref<100000x768xf32, #tpu.memory_space<hbm>>
        tpu.enqueue_indirect_dma source(%dma_start3A_42 : memref<100000x768xf32, #tpu.memory_space<hbm>>) target(%arg6 : memref<64x768xf32, #tpu.memory_space<vmem>>) offsets(%dma_start3A_39 : memref<64xi32, #tpu.memory_space<vmem>>) semaphore(%arg8 : memref<!tpu.dma_semaphore, #tpu.memory_space<semaphore_mem>>)
      } else {
      }
      %add3A_36 = arith.addi %mul3A_2, %add3A_21 : i32
      "tpu.region"() ({
        %run_scoped3A = tpu.sem_alloc : memref<!tpu.dma_semaphore, #tpu.memory_space<semaphore_mem>>
        %dma_start3A_37 = arith.constant 0 : i32
        %dma_start3A_38 = tpu.memref_slice %arg4[%add3A_36, %dma_start3A_37] : memref<16384x768xf32, #tpu.memory_space<hbm>> -> memref<64x768xf32, #tpu.memory_space<hbm>>
        %dma_start3A_39 = arith.constant 0 : i32
        %dma_start3A_40 = tpu.memref_slice %arg4[%add3A_36, %dma_start3A_39] : memref<16384x768xf32, #tpu.memory_space<hbm>> -> memref<64x768xf32, #tpu.memory_space<hbm>>
        tpu.enqueue_dma source(%arg7 : memref<64x768xf32, #tpu.memory_space<vmem>>) target(%dma_start3A_40 : memref<64x768xf32, #tpu.memory_space<hbm>>) target_semaphore(%run_scoped3A : memref<!tpu.dma_semaphore, #tpu.memory_space<semaphore_mem>>)
        %dma_wait3A_41 = arith.constant 0 : i32
        %dma_wait3A_42 = tpu.memref_slice %arg4[%add3A_36, %dma_wait3A_41] : memref<16384x768xf32, #tpu.memory_space<hbm>> -> memref<64x768xf32, #tpu.memory_space<hbm>>
        %dma_wait3A_43 = arith.constant 0 : i32
        %dma_wait3A_44 = tpu.memref_slice %arg4[%add3A_36, %dma_wait3A_43] : memref<16384x768xf32, #tpu.memory_space<hbm>> -> memref<64x768xf32, #tpu.memory_space<hbm>>
        tpu.wait_dma2 semaphore(%run_scoped3A : memref<!tpu.dma_semaphore, #tpu.memory_space<semaphore_mem>>) src(%arg7 : memref<64x768xf32, #tpu.memory_space<vmem>>) dst(%dma_wait3A_44 : memref<64x768xf32, #tpu.memory_space<hbm>>)
        tpu.yield
      }) : () -> ()
    }
    %scan3A_10 = arith.constant 4 : i32
    return
  }
}

#map = affine_map<(d0, d1) -> (0)>
#map1 = affine_map<(d0, d1) -> (0, 0)>
module attributes {stable_mosaic.version = 14 : i64} {
  func.func @k(%arg0: i32, %arg1: i32, %arg2: memref<16384xi32, #tpu.memory_space<hbm>>, %arg3: memref<16384xi32, #tpu.memory_space<hbm>>, %arg4: memref<100000x128xi32, #tpu.memory_space<hbm>>, %arg5: memref<16384x128xi32, #tpu.memory_space<hbm>>, %arg6: memref<16384x128xi32, #tpu.memory_space<hbm>>, %arg7: memref<512xi32, #tpu.memory_space<vmem>>, %arg8: memref<512xi32, #tpu.memory_space<vmem>>, %arg9: memref<128x128xi32, #tpu.memory_space<vmem>>, %arg10: memref<128x128xi32, #tpu.memory_space<vmem>>, %arg11: memref<!tpu.dma_semaphore, #tpu.memory_space<semaphore_mem>>, %arg12: memref<!tpu.dma_semaphore, #tpu.memory_space<semaphore_mem>>) attributes {dimension_semantics = [#tpu.dimension_semantics<core_parallel>, #tpu.dimension_semantics<subcore_parallel>], iteration_bounds = array<i64: 2, 16>, scalar_prefetch = 0 : i64, scratch_operands = 6 : i64, tpu.core_type = #tpu.core_type<sc_vector_subcore>, window_params = [{transform_indices = #map}, {transform_indices = #map}, {transform_indices = #map1}, {transform_indices = #map1}, {transform_indices = #map1}]} {
    %mul3A = arith.constant 2 : i32
    %mul3A_0 = arith.muli %arg1, %mul3A : i32
    %add3A = arith.addi %mul3A_0, %arg0 : i32
    %mul3A_1 = arith.constant 512 : i32
    %mul3A_2 = arith.muli %add3A, %mul3A_1 : i32
    "tpu.region"() ({
      %run_scoped3A = tpu.sem_alloc : memref<!tpu.dma_semaphore, #tpu.memory_space<semaphore_mem>>
      %dma_start3A = tpu.memref_slice %arg2[%mul3A_2] : memref<16384xi32, #tpu.memory_space<hbm>> -> memref<512xi32, #tpu.memory_space<hbm>>
      %dma_start3A_7 = tpu.memref_slice %arg2[%mul3A_2] : memref<16384xi32, #tpu.memory_space<hbm>> -> memref<512xi32, #tpu.memory_space<hbm>>
      tpu.enqueue_dma source(%dma_start3A_7 : memref<512xi32, #tpu.memory_space<hbm>>) target(%arg7 : memref<512xi32, #tpu.memory_space<vmem>>) target_semaphore(%run_scoped3A : memref<!tpu.dma_semaphore, #tpu.memory_space<semaphore_mem>>)
      %dma_wait3A = tpu.memref_slice %arg2[%mul3A_2] : memref<16384xi32, #tpu.memory_space<hbm>> -> memref<512xi32, #tpu.memory_space<hbm>>
      %dma_wait3A_8 = tpu.memref_slice %arg2[%mul3A_2] : memref<16384xi32, #tpu.memory_space<hbm>> -> memref<512xi32, #tpu.memory_space<hbm>>
      tpu.wait_dma2 semaphore(%run_scoped3A : memref<!tpu.dma_semaphore, #tpu.memory_space<semaphore_mem>>) src(%dma_wait3A_8 : memref<512xi32, #tpu.memory_space<hbm>>) dst(%arg7 : memref<512xi32, #tpu.memory_space<vmem>>)
      tpu.yield
    }) : () -> ()
    "tpu.region"() ({
      %run_scoped3A = tpu.sem_alloc : memref<!tpu.dma_semaphore, #tpu.memory_space<semaphore_mem>>
      %dma_start3A = tpu.memref_slice %arg3[%mul3A_2] : memref<16384xi32, #tpu.memory_space<hbm>> -> memref<512xi32, #tpu.memory_space<hbm>>
      %dma_start3A_7 = tpu.memref_slice %arg3[%mul3A_2] : memref<16384xi32, #tpu.memory_space<hbm>> -> memref<512xi32, #tpu.memory_space<hbm>>
      tpu.enqueue_dma source(%dma_start3A_7 : memref<512xi32, #tpu.memory_space<hbm>>) target(%arg8 : memref<512xi32, #tpu.memory_space<vmem>>) target_semaphore(%run_scoped3A : memref<!tpu.dma_semaphore, #tpu.memory_space<semaphore_mem>>)
      %dma_wait3A = tpu.memref_slice %arg3[%mul3A_2] : memref<16384xi32, #tpu.memory_space<hbm>> -> memref<512xi32, #tpu.memory_space<hbm>>
      %dma_wait3A_8 = tpu.memref_slice %arg3[%mul3A_2] : memref<16384xi32, #tpu.memory_space<hbm>> -> memref<512xi32, #tpu.memory_space<hbm>>
      tpu.wait_dma2 semaphore(%run_scoped3A : memref<!tpu.dma_semaphore, #tpu.memory_space<semaphore_mem>>) src(%dma_wait3A_8 : memref<512xi32, #tpu.memory_space<hbm>>) dst(%arg8 : memref<512xi32, #tpu.memory_space<vmem>>)
      tpu.yield
    }) : () -> ()
    %scan3A = arith.constant 0 : i32
    %scan3A_3 = arith.constant 4 : i32
    %scan3A_4 = arith.addi %scan3A, %scan3A_3 : i32
    %scan3A_5 = arith.constant 1 : i32
    scf.for %scan3A_7 = %scan3A to %scan3A_4 step %scan3A_5  : i32 {
      %mul3A_8 = arith.constant 1 : i32
      %mul3A_9 = arith.muli %scan3A_7, %mul3A_8 : i32
      %add3A_10 = arith.constant 0 : i32
      %add3A_11 = arith.addi %add3A_10, %mul3A_9 : i32
      %mul3A_12 = arith.constant 128 : i32
      %mul3A_13 = arith.muli %add3A_11, %mul3A_12 : i32
      %dma_start3A = tpu.memref_slice %arg7[%mul3A_13] : memref<512xi32, #tpu.memory_space<vmem>> -> memref<128xi32, #tpu.memory_space<vmem>>
      %dma_start3A_14 = arith.constant 0 : i32
      %dma_start3A_15 = arith.constant 0 : i32
      %dma_start3A_16 = tpu.memref_slice %arg4[%dma_start3A_14, %dma_start3A_15] : memref<100000x128xi32, #tpu.memory_space<hbm>> -> memref<100000x128xi32, #tpu.memory_space<hbm>>
      tpu.enqueue_indirect_dma source(%dma_start3A_16 : memref<100000x128xi32, #tpu.memory_space<hbm>>) target(%arg9 : memref<128x128xi32, #tpu.memory_space<vmem>>) offsets(%dma_start3A : memref<128xi32, #tpu.memory_space<vmem>>) semaphore(%arg11 : memref<!tpu.dma_semaphore, #tpu.memory_space<semaphore_mem>>)
      %dma_start3A_17 = tpu.memref_slice %arg8[%mul3A_13] : memref<512xi32, #tpu.memory_space<vmem>> -> memref<128xi32, #tpu.memory_space<vmem>>
      %dma_start3A_18 = arith.constant 0 : i32
      %dma_start3A_19 = arith.constant 0 : i32
      %dma_start3A_20 = tpu.memref_slice %arg4[%dma_start3A_18, %dma_start3A_19] : memref<100000x128xi32, #tpu.memory_space<hbm>> -> memref<100000x128xi32, #tpu.memory_space<hbm>>
      tpu.enqueue_indirect_dma source(%dma_start3A_20 : memref<100000x128xi32, #tpu.memory_space<hbm>>) target(%arg10 : memref<128x128xi32, #tpu.memory_space<vmem>>) offsets(%dma_start3A_17 : memref<128xi32, #tpu.memory_space<vmem>>) semaphore(%arg12 : memref<!tpu.dma_semaphore, #tpu.memory_space<semaphore_mem>>)
      %dma_wait3A = tpu.memref_slice %arg7[%mul3A_13] : memref<512xi32, #tpu.memory_space<vmem>> -> memref<128xi32, #tpu.memory_space<vmem>>
      %dma_wait3A_21 = arith.constant 0 : i32
      %dma_wait3A_22 = arith.constant 0 : i32
      %dma_wait3A_23 = tpu.memref_slice %arg4[%dma_wait3A_21, %dma_wait3A_22] : memref<100000x128xi32, #tpu.memory_space<hbm>> -> memref<100000x128xi32, #tpu.memory_space<hbm>>
      tpu.wait_indirect_dma semaphore(%arg11 : memref<!tpu.dma_semaphore, #tpu.memory_space<semaphore_mem>>) src(%dma_wait3A_23 : memref<100000x128xi32, #tpu.memory_space<hbm>>) dst(%arg9 : memref<128x128xi32, #tpu.memory_space<vmem>>)
      %dma_wait3A_24 = tpu.memref_slice %arg8[%mul3A_13] : memref<512xi32, #tpu.memory_space<vmem>> -> memref<128xi32, #tpu.memory_space<vmem>>
      %dma_wait3A_25 = arith.constant 0 : i32
      %dma_wait3A_26 = arith.constant 0 : i32
      %dma_wait3A_27 = tpu.memref_slice %arg4[%dma_wait3A_25, %dma_wait3A_26] : memref<100000x128xi32, #tpu.memory_space<hbm>> -> memref<100000x128xi32, #tpu.memory_space<hbm>>
      tpu.wait_indirect_dma semaphore(%arg12 : memref<!tpu.dma_semaphore, #tpu.memory_space<semaphore_mem>>) src(%dma_wait3A_27 : memref<100000x128xi32, #tpu.memory_space<hbm>>) dst(%arg10 : memref<128x128xi32, #tpu.memory_space<vmem>>)
      %add3A_28 = arith.addi %mul3A_2, %mul3A_13 : i32
      "tpu.region"() ({
        %run_scoped3A = tpu.sem_alloc : memref<!tpu.dma_semaphore, #tpu.memory_space<semaphore_mem>>
        %dma_start3A_29 = arith.constant 0 : i32
        %dma_start3A_30 = tpu.memref_slice %arg5[%add3A_28, %dma_start3A_29] : memref<16384x128xi32, #tpu.memory_space<hbm>> -> memref<128x128xi32, #tpu.memory_space<hbm>>
        %dma_start3A_31 = arith.constant 0 : i32
        %dma_start3A_32 = tpu.memref_slice %arg5[%add3A_28, %dma_start3A_31] : memref<16384x128xi32, #tpu.memory_space<hbm>> -> memref<128x128xi32, #tpu.memory_space<hbm>>
        tpu.enqueue_dma source(%arg9 : memref<128x128xi32, #tpu.memory_space<vmem>>) target(%dma_start3A_32 : memref<128x128xi32, #tpu.memory_space<hbm>>) target_semaphore(%run_scoped3A : memref<!tpu.dma_semaphore, #tpu.memory_space<semaphore_mem>>)
        %dma_wait3A_33 = arith.constant 0 : i32
        %dma_wait3A_34 = tpu.memref_slice %arg5[%add3A_28, %dma_wait3A_33] : memref<16384x128xi32, #tpu.memory_space<hbm>> -> memref<128x128xi32, #tpu.memory_space<hbm>>
        %dma_wait3A_35 = arith.constant 0 : i32
        %dma_wait3A_36 = tpu.memref_slice %arg5[%add3A_28, %dma_wait3A_35] : memref<16384x128xi32, #tpu.memory_space<hbm>> -> memref<128x128xi32, #tpu.memory_space<hbm>>
        tpu.wait_dma2 semaphore(%run_scoped3A : memref<!tpu.dma_semaphore, #tpu.memory_space<semaphore_mem>>) src(%arg9 : memref<128x128xi32, #tpu.memory_space<vmem>>) dst(%dma_wait3A_36 : memref<128x128xi32, #tpu.memory_space<hbm>>)
        tpu.yield
      }) : () -> ()
      "tpu.region"() ({
        %run_scoped3A = tpu.sem_alloc : memref<!tpu.dma_semaphore, #tpu.memory_space<semaphore_mem>>
        %dma_start3A_29 = arith.constant 0 : i32
        %dma_start3A_30 = tpu.memref_slice %arg6[%add3A_28, %dma_start3A_29] : memref<16384x128xi32, #tpu.memory_space<hbm>> -> memref<128x128xi32, #tpu.memory_space<hbm>>
        %dma_start3A_31 = arith.constant 0 : i32
        %dma_start3A_32 = tpu.memref_slice %arg6[%add3A_28, %dma_start3A_31] : memref<16384x128xi32, #tpu.memory_space<hbm>> -> memref<128x128xi32, #tpu.memory_space<hbm>>
        tpu.enqueue_dma source(%arg10 : memref<128x128xi32, #tpu.memory_space<vmem>>) target(%dma_start3A_32 : memref<128x128xi32, #tpu.memory_space<hbm>>) target_semaphore(%run_scoped3A : memref<!tpu.dma_semaphore, #tpu.memory_space<semaphore_mem>>)
        %dma_wait3A_33 = arith.constant 0 : i32
        %dma_wait3A_34 = tpu.memref_slice %arg6[%add3A_28, %dma_wait3A_33] : memref<16384x128xi32, #tpu.memory_space<hbm>> -> memref<128x128xi32, #tpu.memory_space<hbm>>
        %dma_wait3A_35 = arith.constant 0 : i32
        %dma_wait3A_36 = tpu.memref_slice %arg6[%add3A_28, %dma_wait3A_35] : memref<16384x128xi32, #tpu.memory_space<hbm>> -> memref<128x128xi32, #tpu.memory_space<hbm>>
        tpu.wait_dma2 semaphore(%run_scoped3A : memref<!tpu.dma_semaphore, #tpu.memory_space<semaphore_mem>>) src(%arg10 : memref<128x128xi32, #tpu.memory_space<vmem>>) dst(%dma_wait3A_36 : memref<128x128xi32, #tpu.memory_space<hbm>>)
        tpu.yield
      }) : () -> ()
    }
    %scan3A_6 = arith.constant 4 : i32
    return
  }
}

module attributes {stable_mosaic.version = 14 : i64} {
  func.func @_tc_body(%arg0: i32, %arg1: memref<1024x128xi32, #tpu.memory_space<vmem>>, %arg2: memref<1024x128xi32, #tpu.memory_space<vmem>>, %arg3: memref<1024x768xf32, #tpu.memory_space<vmem>>, %arg4: memref<64x64xf32, #tpu.memory_space<vmem>>, %arg5: memref<64x64xf32, #tpu.memory_space<vmem>>, %arg6: memref<768x64xf32, #tpu.memory_space<vmem>>, %arg7: memref<1x64xf32, #tpu.memory_space<vmem>>, %arg8: memref<1x64xf32, #tpu.memory_space<vmem>>, %arg9: memref<1x64xf32, #tpu.memory_space<vmem>>, %arg10: memref<1x1xf32, #tpu.memory_space<vmem>>, %arg11: memref<1024x1xf32, #tpu.memory_space<vmem>>) attributes {dimension_semantics = [#tpu.dimension_semantics<arbitrary>], iteration_bounds = array<i64: 16>, scalar_prefetch = 0 : i64, scratch_operands = 0 : i64, tpu.core_type = #tpu.core_type<tc>, window_params = [{transform_indices = @transform_0, window_bounds = array<i64: 1024, 128>}, {transform_indices = @transform_1, window_bounds = array<i64: 1024, 128>}, {transform_indices = @transform_2, window_bounds = array<i64: 1024, 768>}, {pipeline_mode = #tpu.pipeline_mode<synchronous>, transform_indices = @transform_3, window_bounds = array<i64: 64, 64>}, {pipeline_mode = #tpu.pipeline_mode<synchronous>, transform_indices = @transform_4, window_bounds = array<i64: 64, 64>}, {pipeline_mode = #tpu.pipeline_mode<synchronous>, transform_indices = @transform_5, window_bounds = array<i64: 768, 64>}, {pipeline_mode = #tpu.pipeline_mode<synchronous>, transform_indices = @transform_6, window_bounds = array<i64: 1, 64>}, {pipeline_mode = #tpu.pipeline_mode<synchronous>, transform_indices = @transform_7, window_bounds = array<i64: 1, 64>}, {pipeline_mode = #tpu.pipeline_mode<synchronous>, transform_indices = @transform_8, window_bounds = array<i64: 1, 64>}, {pipeline_mode = #tpu.pipeline_mode<synchronous>, transform_indices = @transform_9, window_bounds = array<i64: 1, 1>}, {transform_indices = @transform_10, window_bounds = array<i64: 1024, 1>}]} {
    %get3A = arith.constant 0 : index
    %get3A_0 = arith.constant 0 : index
    %get3A_1 = vector.load %arg1[%get3A, %get3A_0] : memref<1024x128xi32, #tpu.memory_space<vmem>>, vector<1024x128xi32>
    %bitcast_convert_type3A = tpu.bitcast %get3A_1 : vector<1024x128xi32> -> vector<1024x128xi32>
    %and3A = arith.constant 65535 : i32
    %and3A_2 = vector.broadcast %and3A : i32 to vector<1024x128xi32>
    %and3A_3 = arith.andi %bitcast_convert_type3A, %and3A_2 : vector<1024x128xi32>
    %convert_element_type3A = arith.trunci %and3A_3 : vector<1024x128xi32> to vector<1024x128xi16>
    %bitcast_convert_type3A_4 = tpu.bitcast %convert_element_type3A : vector<1024x128xi16> -> vector<1024x128xbf16>
    %convert_element_type3A_5 = arith.extf %bitcast_convert_type3A_4 : vector<1024x128xbf16> to vector<1024x128xf32>
    %get3A_6 = arith.constant 0 : index
    %get3A_7 = arith.constant 0 : index
    %get3A_8 = vector.load %arg2[%get3A_6, %get3A_7] : memref<1024x128xi32, #tpu.memory_space<vmem>>, vector<1024x128xi32>
    %bitcast_convert_type3A_9 = tpu.bitcast %get3A_8 : vector<1024x128xi32> -> vector<1024x128xi32>
    %shift_right_logical3A = arith.constant 16 : i32
    %shift_right_logical3A_10 = vector.broadcast %shift_right_logical3A : i32 to vector<1024x128xi32>
    %shift_right_logical3A_11 = arith.shrui %bitcast_convert_type3A_9, %shift_right_logical3A_10 : vector<1024x128xi32>
    %convert_element_type3A_12 = arith.trunci %shift_right_logical3A_11 : vector<1024x128xi32> to vector<1024x128xi16>
    %bitcast_convert_type3A_13 = tpu.bitcast %convert_element_type3A_12 : vector<1024x128xi16> -> vector<1024x128xbf16>
    %convert_element_type3A_14 = arith.extf %bitcast_convert_type3A_13 : vector<1024x128xbf16> to vector<1024x128xf32>
    %slice3A = vector.extract_strided_slice %convert_element_type3A_5 {offsets = [0, 64], sizes = [1024, 64], strides = [1, 1]} : vector<1024x128xf32> to vector<1024x64xf32>
    %get3A_15 = arith.constant 0 : index
    %get3A_16 = arith.constant 0 : index
    %get3A_17 = vector.load %arg4[%get3A_15, %get3A_16] : memref<64x64xf32, #tpu.memory_space<vmem>>, vector<64x64xf32>
    %dot_general3A = arith.constant dense<0.000000e+00> : vector<1024x64xf32>
    %dot_general3A_18 = tpu.matmul %slice3A, %get3A_17, %dot_general3A {dimension_numbers = #tpu.dot_dimension_numbers<[1], [0], [0], [1], [0, 0, 1, 1], [], []>, transpose_lhs_hint = false} : vector<1024x64xf32>, vector<64x64xf32>, vector<1024x64xf32> -> vector<1024x64xf32>
    %slice3A_19 = vector.extract_strided_slice %convert_element_type3A_14 {offsets = [0, 64], sizes = [1024, 64], strides = [1, 1]} : vector<1024x128xf32> to vector<1024x64xf32>
    %get3A_20 = arith.constant 0 : index
    %get3A_21 = arith.constant 0 : index
    %get3A_22 = vector.load %arg5[%get3A_20, %get3A_21] : memref<64x64xf32, #tpu.memory_space<vmem>>, vector<64x64xf32>
    %dot_general3A_23 = arith.constant dense<0.000000e+00> : vector<1024x64xf32>
    %dot_general3A_24 = tpu.matmul %slice3A_19, %get3A_22, %dot_general3A_23 {dimension_numbers = #tpu.dot_dimension_numbers<[1], [0], [0], [1], [0, 0, 1, 1], [], []>, transpose_lhs_hint = false} : vector<1024x64xf32>, vector<64x64xf32>, vector<1024x64xf32> -> vector<1024x64xf32>
    %add3A = arith.addf %dot_general3A_18, %dot_general3A_24 : vector<1024x64xf32>
    %get3A_25 = arith.constant 0 : index
    %get3A_26 = arith.constant 0 : index
    %get3A_27 = vector.load %arg3[%get3A_25, %get3A_26] : memref<1024x768xf32, #tpu.memory_space<vmem>>, vector<1024x768xf32>
    %get3A_28 = arith.constant 0 : index
    %get3A_29 = arith.constant 0 : index
    %get3A_30 = vector.load %arg6[%get3A_28, %get3A_29] : memref<768x64xf32, #tpu.memory_space<vmem>>, vector<768x64xf32>
    %dot_general3A_31 = arith.constant dense<0.000000e+00> : vector<1024x64xf32>
    %dot_general3A_32 = tpu.matmul %get3A_27, %get3A_30, %dot_general3A_31 {dimension_numbers = #tpu.dot_dimension_numbers<[1], [0], [0], [1], [0, 0, 1, 1], [], []>, transpose_lhs_hint = false} : vector<1024x768xf32>, vector<768x64xf32>, vector<1024x64xf32> -> vector<1024x64xf32>
    %add3A_33 = arith.addf %add3A, %dot_general3A_32 : vector<1024x64xf32>
    %get3A_34 = arith.constant 0 : index
    %get3A_35 = arith.constant 0 : index
    %get3A_36 = vector.load %arg7[%get3A_34, %get3A_35] : memref<1x64xf32, #tpu.memory_space<vmem>>, vector<1x64xf32>
    %add3A_37 = vector.broadcast %get3A_36 : vector<1x64xf32> to vector<1024x64xf32>
    %add3A_38 = arith.addf %add3A_33, %add3A_37 : vector<1024x64xf32>
    %max3A = arith.constant 0.000000e+00 : f32
    %max3A_39 = vector.broadcast %max3A : f32 to vector<1024x64xf32>
    %max3A_40 = arith.maximumf %add3A_38, %max3A_39 : vector<1024x64xf32>
    %slice3A_41 = vector.extract_strided_slice %convert_element_type3A_5 {offsets = [0, 0], sizes = [1024, 64], strides = [1, 1]} : vector<1024x128xf32> to vector<1024x64xf32>
    %slice3A_42 = vector.extract_strided_slice %convert_element_type3A_14 {offsets = [0, 0], sizes = [1024, 64], strides = [1, 1]} : vector<1024x128xf32> to vector<1024x64xf32>
    %mul3A = arith.mulf %slice3A_41, %slice3A_42 : vector<1024x64xf32>
    %get3A_43 = arith.constant 0 : index
    %get3A_44 = arith.constant 0 : index
    %get3A_45 = vector.load %arg8[%get3A_43, %get3A_44] : memref<1x64xf32, #tpu.memory_space<vmem>>, vector<1x64xf32>
    %mul3A_46 = vector.broadcast %get3A_45 : vector<1x64xf32> to vector<1024x64xf32>
    %mul3A_47 = arith.mulf %mul3A, %mul3A_46 : vector<1024x64xf32>
    %reduce_sum3A = arith.constant dense<0.000000e+00> : vector<1024xf32>
    %reduce_sum3A_48 = vector.multi_reduction <add>, %mul3A_47, %reduce_sum3A [1] : vector<1024x64xf32> to vector<1024xf32>
    %broadcast_in_dim3A = vector.shape_cast %reduce_sum3A_48 : vector<1024xf32> to vector<1024x1xf32>
    %get3A_49 = arith.constant 0 : index
    %get3A_50 = arith.constant 0 : index
    %get3A_51 = vector.load %arg9[%get3A_49, %get3A_50] : memref<1x64xf32, #tpu.memory_space<vmem>>, vector<1x64xf32>
    %mul3A_52 = vector.broadcast %get3A_51 : vector<1x64xf32> to vector<1024x64xf32>
    %mul3A_53 = arith.mulf %max3A_40, %mul3A_52 : vector<1024x64xf32>
    %reduce_sum3A_54 = arith.constant dense<0.000000e+00> : vector<1024xf32>
    %reduce_sum3A_55 = vector.multi_reduction <add>, %mul3A_53, %reduce_sum3A_54 [1] : vector<1024x64xf32> to vector<1024xf32>
    %broadcast_in_dim3A_56 = vector.shape_cast %reduce_sum3A_55 : vector<1024xf32> to vector<1024x1xf32>
    %add3A_57 = arith.addf %broadcast_in_dim3A, %broadcast_in_dim3A_56 : vector<1024x1xf32>
    %get3A_58 = arith.constant 0 : index
    %get3A_59 = arith.constant 0 : index
    %get3A_60 = vector.load %arg10[%get3A_58, %get3A_59] : memref<1x1xf32, #tpu.memory_space<vmem>>, vector<1x1xf32>
    %add3A_61 = vector.broadcast %get3A_60 : vector<1x1xf32> to vector<1024x1xf32>
    %add3A_62 = arith.addf %add3A_57, %add3A_61 : vector<1024x1xf32>
    %swap3A = arith.constant 0 : index
    %swap3A_63 = arith.constant 0 : index
    %swap3A_64 = vector.load %arg11[%swap3A, %swap3A_63] : memref<1024x1xf32, #tpu.memory_space<vmem>>, vector<1024x1xf32>
    tpu.vector_store %arg11[%swap3A, %swap3A_63], %add3A_62 {strides = array<i32>} : memref<1024x1xf32, #tpu.memory_space<vmem>>, vector<1024x1xf32>,
    return
  }
  func.func @transform_0(%arg0: i32) -> (i32, i32) {
    %c0_i32 = arith.constant 0 : i32
    %c0_i32_0 = arith.constant 0 : i32
    return %arg0, %c0_i32 : i32, i32
  }
  func.func @transform_1(%arg0: i32) -> (i32, i32) {
    %c0_i32 = arith.constant 0 : i32
    %c0_i32_0 = arith.constant 0 : i32
    return %arg0, %c0_i32 : i32, i32
  }
  func.func @transform_2(%arg0: i32) -> (i32, i32) {
    %c0_i32 = arith.constant 0 : i32
    %c0_i32_0 = arith.constant 0 : i32
    return %arg0, %c0_i32 : i32, i32
  }
  func.func @transform_3(%arg0: i32) -> (i32, i32) {
    %c0_i32 = arith.constant 0 : i32
    %c0_i32_0 = arith.constant 0 : i32
    %c0_i32_1 = arith.constant 0 : i32
    return %c0_i32, %c0_i32_0 : i32, i32
  }
  func.func @transform_4(%arg0: i32) -> (i32, i32) {
    %c0_i32 = arith.constant 0 : i32
    %c0_i32_0 = arith.constant 0 : i32
    %c0_i32_1 = arith.constant 0 : i32
    return %c0_i32, %c0_i32_0 : i32, i32
  }
  func.func @transform_5(%arg0: i32) -> (i32, i32) {
    %c0_i32 = arith.constant 0 : i32
    %c0_i32_0 = arith.constant 0 : i32
    %c0_i32_1 = arith.constant 0 : i32
    return %c0_i32, %c0_i32_0 : i32, i32
  }
  func.func @transform_6(%arg0: i32) -> (i32, i32) {
    %c0_i32 = arith.constant 0 : i32
    %c0_i32_0 = arith.constant 0 : i32
    %c0_i32_1 = arith.constant 0 : i32
    return %c0_i32, %c0_i32_0 : i32, i32
  }
  func.func @transform_7(%arg0: i32) -> (i32, i32) {
    %c0_i32 = arith.constant 0 : i32
    %c0_i32_0 = arith.constant 0 : i32
    %c0_i32_1 = arith.constant 0 : i32
    return %c0_i32, %c0_i32_0 : i32, i32
  }
  func.func @transform_8(%arg0: i32) -> (i32, i32) {
    %c0_i32 = arith.constant 0 : i32
    %c0_i32_0 = arith.constant 0 : i32
    %c0_i32_1 = arith.constant 0 : i32
    return %c0_i32, %c0_i32_0 : i32, i32
  }
  func.func @transform_9(%arg0: i32) -> (i32, i32) {
    %c0_i32 = arith.constant 0 : i32
    %c0_i32_0 = arith.constant 0 : i32
    %c0_i32_1 = arith.constant 0 : i32
    return %c0_i32, %c0_i32_0 : i32, i32
  }
  func.func @transform_10(%arg0: i32) -> (i32, i32) {
    %c0_i32 = arith.constant 0 : i32
    %c0_i32_0 = arith.constant 0 : i32
    return %arg0, %c0_i32 : i32, i32
  }
}

module attributes {stable_mosaic.version = 14 : i64} {
  func.func @_pre_body(%arg0: i32, %arg1: memref<64x4096xf32, #tpu.memory_space<vmem>>, %arg2: memref<64x4096xf32, #tpu.memory_space<vmem>>, %arg3: memref<64x4096xf32, #tpu.memory_space<vmem>>, %arg4: memref<64x4096xf32, #tpu.memory_space<vmem>>, %arg5: memref<4096x128xi32, #tpu.memory_space<vmem>>) attributes {dimension_semantics = [#tpu.dimension_semantics<arbitrary>], iteration_bounds = array<i64: 25>, scalar_prefetch = 0 : i64, scratch_operands = 0 : i64, tpu.core_type = #tpu.core_type<tc>, window_params = [{transform_indices = @transform_0, window_bounds = array<i64: 64, 4096>}, {transform_indices = @transform_1, window_bounds = array<i64: 64, 4096>}, {transform_indices = @transform_2, window_bounds = array<i64: 64, 4096>}, {transform_indices = @transform_3, window_bounds = array<i64: 64, 4096>}, {transform_indices = @transform_4, window_bounds = array<i64: 4096, 128>}]} {
    %get3A = arith.constant 0 : index
    %get3A_0 = arith.constant 0 : index
    %get3A_1 = vector.load %arg1[%get3A, %get3A_0] : memref<64x4096xf32, #tpu.memory_space<vmem>>, vector<64x4096xf32>
    %get3A_2 = arith.constant 0 : index
    %get3A_3 = arith.constant 0 : index
    %get3A_4 = vector.load %arg2[%get3A_2, %get3A_3] : memref<64x4096xf32, #tpu.memory_space<vmem>>, vector<64x4096xf32>
    %concatenate3A = tpu.concatenate %get3A_1, %get3A_4 in 0 : vector<64x4096xf32>, vector<64x4096xf32> -> vector<128x4096xf32>
    %transpose3A = tpu.transpose %concatenate3A, [1, 0] : vector<128x4096xf32> -> vector<4096x128xf32>
    %get3A_5 = arith.constant 0 : index
    %get3A_6 = arith.constant 0 : index
    %get3A_7 = vector.load %arg3[%get3A_5, %get3A_6] : memref<64x4096xf32, #tpu.memory_space<vmem>>, vector<64x4096xf32>
    %get3A_8 = arith.constant 0 : index
    %get3A_9 = arith.constant 0 : index
    %get3A_10 = vector.load %arg4[%get3A_8, %get3A_9] : memref<64x4096xf32, #tpu.memory_space<vmem>>, vector<64x4096xf32>
    %concatenate3A_11 = tpu.concatenate %get3A_7, %get3A_10 in 0 : vector<64x4096xf32>, vector<64x4096xf32> -> vector<128x4096xf32>
    %transpose3A_12 = tpu.transpose %concatenate3A_11, [1, 0] : vector<128x4096xf32> -> vector<4096x128xf32>
    %convert_element_type3A = arith.truncf %transpose3A : vector<4096x128xf32> to vector<4096x128xbf16>
    %bitcast_convert_type3A = tpu.bitcast %convert_element_type3A : vector<4096x128xbf16> -> vector<4096x128xi16>
    %convert_element_type3A_13 = arith.extui %bitcast_convert_type3A : vector<4096x128xi16> to vector<4096x128xi32>
    %convert_element_type3A_14 = arith.truncf %transpose3A_12 : vector<4096x128xf32> to vector<4096x128xbf16>
    %bitcast_convert_type3A_15 = tpu.bitcast %convert_element_type3A_14 : vector<4096x128xbf16> -> vector<4096x128xi16>
    %convert_element_type3A_16 = arith.extui %bitcast_convert_type3A_15 : vector<4096x128xi16> to vector<4096x128xi32>
    %shift_left3A = arith.constant 16 : i32
    %shift_left3A_17 = vector.broadcast %shift_left3A : i32 to vector<4096x128xi32>
    %shift_left3A_18 = arith.shli %convert_element_type3A_16, %shift_left3A_17 : vector<4096x128xi32>
    %or3A = arith.ori %convert_element_type3A_13, %shift_left3A_18 : vector<4096x128xi32>
    %bitcast_convert_type3A_19 = tpu.bitcast %or3A : vector<4096x128xi32> -> vector<4096x128xi32>
    %swap3A = arith.constant 0 : index
    %swap3A_20 = arith.constant 0 : index
    %swap3A_21 = vector.load %arg5[%swap3A, %swap3A_20] : memref<4096x128xi32, #tpu.memory_space<vmem>>, vector<4096x128xi32>
    tpu.vector_store %arg5[%swap3A, %swap3A_20], %bitcast_convert_type3A_19 {strides = array<i32>} : memref<4096x128xi32, #tpu.memory_space<vmem>>, vector<4096x128xi32>,
    return
  }
  func.func @transform_0(%arg0: i32) -> (i32, i32) {
    %c0_i32 = arith.constant 0 : i32
    %c0_i32_0 = arith.constant 0 : i32
    return %c0_i32, %arg0 : i32, i32
  }
  func.func @transform_1(%arg0: i32) -> (i32, i32) {
    %c0_i32 = arith.constant 0 : i32
    %c0_i32_0 = arith.constant 0 : i32
    return %c0_i32, %arg0 : i32, i32
  }
  func.func @transform_2(%arg0: i32) -> (i32, i32) {
    %c0_i32 = arith.constant 0 : i32
    %c0_i32_0 = arith.constant 0 : i32
    return %c0_i32, %arg0 : i32, i32
  }
  func.func @transform_3(%arg0: i32) -> (i32, i32) {
    %c0_i32 = arith.constant 0 : i32
    %c0_i32_0 = arith.constant 0 : i32
    return %c0_i32, %arg0 : i32, i32
  }
  func.func @transform_4(%arg0: i32) -> (i32, i32) {
    %c0_i32 = arith.constant 0 : i32
    %c0_i32_0 = arith.constant 0 : i32
    return %arg0, %c0_i32 : i32, i32
  }
}

</mosaic_0001>

<sc_bundles>
// kernel: kernel.6.cloned.1.call-start
scs
__scs_entry_jumppad:
0x0: {  	(pc) =	sbr.rel $0x88, $3  }
0x1: {  	(tag) =	ssettag $0x0;
	lr =	simm.s32 $0x1  }
0x2: {  	[smem:$0x3F96] =	sst lr;
	_ =	strace $0xD0000000  }
0x3: {  	_ = 	snop  }
0x4: {  	_ = 	snop  }
0x5: {  	_ = 	snop  }
0x6: {  	_ = 	snop  }
0x7: {  	_ = 	snop  }
__scs_overlays_trampoline_lowered:
0x8: {  	[smem:$0x3FA5] =	sst s0  }
0x9: {  	[smem:$0x3FA6] =	sst s1  }
0xa: {  	[smem:$0x3FA7] =	sst s2  }
0xb: {  	[smem:$0x3FA8] =	sst s3  }
0xc: {  	[smem:$0x3FA9] =	sst s4  }
0xd: {  	[smem:$0x3FAA] =	sst s5  }
0xe: {  	[smem:$0x3FAB] =	sst s6  }
0xf: {  	[smem:$0x3FAC] =	sst s7  }
0x10: {  	[smem:$0x3FAD] =	sst s8  }
0x11: {  	[smem:$0x3FAE] =	sst s9;
	s0 =	simm.s32 @!p0 $0x0  }
0x12: {  	s1 =	sld [smem:$0x3F94];
	s0 =	simm.s32 @p0 $0x1  }
0x13: {  	[smem:$0x3FAF] =	sst s0;
	s0 =	simm.s32 @!p1 $0x0  }
0x14: {  	s2 =	sld [smem:$0x3F93];
	s0 =	simm.s32 @p1 $0x1  }
0x15: {  	[smem:$0x3FB0] =	sst s0;
	s0 =	simm.s32 @!p2 $0x0  }
0x16: {  	s3 =	sld [smem:$0x3FDB];
	s0 =	simm.s32 @p2 $0x1  }
0x17: {  	s4 =	simm.s32 $0x1BF5;
	[smem:$0x3FB2] =	sst s0  }
0x18: {  	s0 =	sld [smem:$0x3F95];
	_ =	swait.ge [sflag:s4], $0x0  }
0x19: {  	s7 =	sld [smem:$0x3F96]  }
0x1a: {  	s8 =	sadd.s32 $0xFFFFE003, lr  }
0x1b: {  	s9 =	sadd.s32 $0xFFFFFEF7, lr;
	s5 =	simm.s32 $0xFFFFFFFF;
	p2 =	slt.u32 s8, $0xFFFFF086  }
0x1c: {  	p1 =	slt.u32 s9, $0xF7A;
	s5 =	simm.s32 @!p2 $0x0  }
0x1d: {  	s5 =	simm.s32 @p1 $0x1;
	p0 =	seq.s32 s7, s2  }
0x1e: {  	s7 =	smul.u32 @!p0 $0xF7A, s2;
	p2 =	seq.s32 @!p0 s5, $0x0  }
0x1f: {  	s9 =	smul.u32 $0xF7A, s1;
	s8 =	simm.s32 @!p0 $0x1BF5;
	p2 =	por !p2, p0  }
0x20: {  	[sflag:s8] =	ssyncset.s32 @!p0 $0xFFFFF086;
	s6 =	sadd.s32 @!p0 s3, s7;
	s7 =	simm.s32 @!p0 $0x108  }
0x21: {  	s3 =	sadd.s32 s3, s9;
	s6 =	sadd.s32 @!p0 $0x88, s6;
	s7 =	simm.s32 @p2 $0x1082  }
0x22: {  	[simem:s7], [sflag:s8] =	dma.local @!p0 [hbm:s6], $0xF7A  }
0x23: {  	s9 =	sor.u32 $0xD0000000, s2;
	s6 =	simm.s32 $0x108;
	_ =	swait.ge @!p0 [sflag:s8], $0x0  }
0x24: {  	s3 =	sadd.s32 $0x88, s3;
	s6 =	simm.s32 @!p1 $0x1082;
	[sflag:s4] =	ssyncset.s32 $0xFFFFF086  }
0x25: {  	[simem:s6], [sflag:s4] =	dma.local [hbm:s3], $0xF7A  }
0x26: {  	[smem:$0x3F96] =	sst s1;
	(tag) =	ssettag s2;
	_ =	strace s9  }
0x27: {  	s1 =	sld [smem:$0x3FA6]  }
0x28: {  	s2 =	sld [smem:$0x3FA7]  }
0x29: {  	s4 =	sld [smem:$0x3FA9]  }
0x2a: {  	p0 =	seq.s32 s5, $0x0;
	s5 =	sld [smem:$0x3FAA]  }
0x2b: {  	s6 =	sld [smem:$0x3FAB]  }
0x2c: {  	s7 =	sld [smem:$0x3FAC]  }
0x2d: {  	s3 =	simm.s32 $0x108;
	s8 =	sld [smem:$0x3FAD]  }
0x2e: {  	s3 =	simm.s32 @!p0 $0x1082;
	s9 =	sld [smem:$0x3FAE]  }
0x2f: {  	lr =	sadd.s32 s0, s3;
	s0 =	sld [smem:$0x3FA5]  }
0x30: {  	s3 =	sld [smem:$0x3FA8]  }
0x31: {  	[smem:$0x3FB1] =	sst s10  }
0x32: {  	s10 =	sld [smem:$0x3FAF];
	_ =	sdelay $0x3  }
0x33: {  	p0 =	seq.s32 s10, $0x1;
	s10 =	sld [smem:$0x3FB1];
	_ =	sdelay $0x3  }
0x34: {  	[smem:$0x3FB1] =	sst s10  }
0x35: {  	s10 =	sld [smem:$0x3FB0];
	_ =	sdelay $0x3  }
0x36: {  	p1 =	seq.s32 s10, $0x1;
	s10 =	sld [smem:$0x3FB1];
	_ =	sdelay $0x3  }
0x37: {  	[smem:$0x3FB1] =	sst s10  }
0x38: {  	s10 =	sld [smem:$0x3FB2]  }
0x39: {  	_ = 	snop;
	(pc) =	sbr.ind lr, $3  }
0x3a: {  	_ = 	snop  }
0x3b: {  	_ = 	snop  }
0x3c: {  	p2 =	seq.s32 s10, $0x1;
	s10 =	sld [smem:$0x3FB1]  }
0x3d: {  	_ =	shalt  }
0x3e: {  	_ =	shalt  }
0x3f: {  	_ =	shalt  }
0x40: {  	_ =	shalt  }
0x41: {  	_ =	shalt  }
0x42: {  	_ =	shalt  }
0x43: {  	_ =	shalt  }
0x44: {  	_ =	shalt  }
0x45: {  	_ =	shalt  }
0x46: {  	_ =	shalt  }
0x47: {  	_ =	shalt  }
0x48: {  	_ =	shalt  }
0x49: {  	_ =	shalt  }
0x4a: {  	_ =	shalt  }
0x4b: {  	_ =	shalt  }
0x4c: {  	_ =	shalt  }
0x4d: {  	_ =	shalt  }
0x4e: {  	_ =	shalt  }
0x4f: {  	_ =	shalt  }
0x50: {  	_ =	shalt  }
0x51: {  	_ =	shalt  }
0x52: {  	_ =	shalt  }
0x53: {  	_ =	shalt  }
0x54: {  	_ =	shalt  }
0x55: {  	_ =	shalt  }
0x56: {  	_ =	shalt  }
0x57: {  	_ =	shalt  }
0x58: {  	_ =	shalt  }
0x59: {  	_ =	shalt  }
0x5a: {  	_ =	shalt  }
0x5b: {  	_ =	shalt  }
0x5c: {  	_ =	shalt  }
0x5d: {  	_ =	shalt  }
0x5e: {  	_ =	shalt  }
0x5f: {  	_ =	shalt  }
0x60: {  	_ =	shalt  }
0x61: {  	_ =	shalt  }
0x62: {  	_ =	shalt  }
0x63: {  	_ =	shalt  }
0x64: {  	_ =	shalt  }
0x65: {  	_ =	shalt  }
0x66: {  	_ =	shalt  }
0x67: {  	_ =	shalt  }
0x68: {  	_ =	shalt  }
0x69: {  	_ =	shalt  }
0x6a: {  	_ =	shalt  }
0x6b: {  	_ =	shalt  }
0x6c: {  	_ =	shalt  }
0x6d: {  	_ =	shalt  }
0x6e: {  	_ =	shalt  }
0x6f: {  	_ =	shalt  }
0x70: {  	_ =	shalt  }
0x71: {  	_ =	shalt  }
0x72: {  	_ =	shalt  }
0x73: {  	_ =	shalt  }
0x74: {  	_ =	shalt  }
0x75: {  	_ =	shalt  }
0x76: {  	_ =	shalt  }
0x77: {  	_ =	shalt  }
0x78: {  	_ =	shalt  }
0x79: {  	_ =	shalt  }
0x7a: {  	_ =	shalt  }
0x7b: {  	_ =	shalt  }
0x7c: {  	_ =	shalt  }
0x7d: {  	_ =	shalt  }
0x7e: {  	_ =	shalt  }
0x7f: {  	_ =	shalt  }
0x80: {  	_ =	shalt  }
0x81: {  	_ =	shalt  }
0x82: {  	_ =	shalt  }
0x83: {  	_ =	shalt  }
0x84: {  	_ =	shalt  }
0x85: {  	_ =	shalt  }
0x86: {  	_ =	shalt  }
0x87: {  	_ =	shalt  }
.Lfunc_end0:
.L_simem_size_0:
called_computation_lowered:
.L_overlay_start_0:
0x88: {  	s2 =	sld [smem:$0x3FD9]  }
0x89: {  	s3 =	sld [smem:$0x3FFE];
	_ =	sdelay $0x1  }
0x8a: {  	s1 =	srdreg.scid  }
0x8b: {  	s0 =	sand.u32 $0x1, s1  }
0x8c: {  	s17 =	sshll.u32 s0, $0xA;
	s2 =	sadd.s32 s3, s2  }
0x8d: {  	s2 =	sadd.s32 s2, s17  }
0x8e: {  	[smem:$0x3FBD] =	sst s2  }
0x8f: {  	_ = 	snop  }
0x90: {  	s2 =	sld [smem:$0x3FC8]  }
0x91: {  	s18 =	sld [smem:$0x3FC3];
	(tm) =	ssettm $0x1  }
0x92: {  	s4 =	sld [smem:$0x3FFB];
	_ =	sdelay $0x3  }
0x93: {  	_ =	strace s4  }
0x94: {  	s4 =	sld [smem:$0x3FFC];
	_ =	sdelay $0x3  }
0x95: {  	_ =	strace s4  }
0x96: {  	s4 =	sld [smem:$0x3FFD];
	_ =	sdelay $0x3  }
0x97: {  	_ =	strace s4  }
0x98: {  	_ =	strace $0x8FFFFFFF  }
0x99: {  	s19 =	sld [smem:$0x3FDB];
	_ =	sdelay $0x1  }
0x9a: {  	s5 =	simm.s32 $_scs_section_size  }
0x9b: {  	s6 =	simm.s32 $_size__tile_overlayer_lowered;
	s7 =	simm.s32 $_tile_overlayer_lowered  }
0x9c: {  	s22 =	simm.s32 $0x1BFF;
	s21 =	sshll.u32 s7, $0x1;
	s4 =	sadd.s32 s5, s19  }
0x9d: {  	s8 =	simm.s32 $0x0;
	s20 =	sshll.u32 s6, $0x1;
	s6 =	sadd.s32 s21, s4  }
0x9e: {  	[timem:s8], [sflag:s22] =	dma.local [hbm:s6], s20  }
0x9f: {  	_ =	swait.ge [sflag:s22], s20  }
0xa0: {  	s5 =	ssub.s32 $0x0, s20;
	[sflag:s22] =	ssyncset.done $0x0  }
0xa1: {  	[sflag:s22] =	ssyncadd.s32 s5;
	_ =	sdelay $0x1  }
0xa2: {  	s23 =	simm.s32 $0x1B8B  }
0xa3: {  	_ =	swait.ge [sflag:s23], $0x1  }
0xa4: {  	[sflag:s23] =	ssyncset.done $0x0  }
0xa5: {  	s25 =	simm.s32 $0x1B8E;
	s24 =	sld [smem:$0x3FFE];
	[sflag:s23] =	ssyncadd.s32 $0xFFFFFFFF  }
0xa6: {  	s26 =	simm.s32 $execute0_lowered;
	[smem:$0x3FD2] =	sst s25  }
0xa7: {  	s6 =	sshll.u32 s26, $0x1;
	_ =	strace $0x80000046;
	[dreg:$0x1] =	wrdreg $0xFFFFFFFF  }
0xa8: {  	s28 =	simm.s32 $_size_execute0_lowered;
	s4 =	sadd.s32 s4, s6;
	[dreg:$0x0] =	wrdreg $0x0  }
0xa9: {  	s6 =	sshll.u32 s28, $0x1;
	[dreg:$0x2] =	wrdreg s4  }
0xaa: {  	[dreg:$0x3] =	wrdreg s6  }
0xab: {  	[dreg:$0x4] =	wrdreg $0xC0  }
0xac: {  	_ =	task [dreg:s8], $0x5FFFF  }
0xad: {  	[dreg:$0x1] =	wrdreg $0xFFFFFFFF  }
0xae: {  	[dreg:$0x0] =	wrdreg $0x60  }
0xaf: {  	[dreg:$0x2] =	wrdreg s2  }
0xb0: {  	[dreg:$0x3] =	wrdreg s18  }
0xb1: {  	[dreg:$0x4] =	wrdreg s24  }
0xb2: {  	[dreg:$0x5] =	wrdreg $0x9  }
0xb3: {  	_ =	task.clear_ibuf [dreg:s8], $0x6FFFF;
	_ =	strace $0x90000046  }
0xb4: {  	s29 =	simm.s32 $0x9;
	_ =	strace $0x80000048  }
0xb5: {  	_ =	swait.ge [sflag:s29], $0x1  }
0xb6: {  	[sflag:s29] =	ssyncadd.s32 $0xFFFFFFFF  }
0xb7: {  	_ =	strace $0x90000048  }
0xb8: {  	_ =	sfence  }
0xb9: {  	s30 =	sld [smem:$0x0];
	_ =	sdelay $0x2  }
0xba: {  	s31 =	sshll.u32 s1, $0xD;
	s1 =	sshrl.u32 s1, $0x2  }
0xbb: {  	s3 =	sand.u32 $0x4000, s31;
	s1 =	sadd.s32 s1, s30  }
0xbc: {  	s0 =	sor.u32 s3, s0;
	s1 =	sshll.u32 s1, $0x11  }
0xbd: {  	s0 =	sor.u32 s1, s0  }
0xbe: {  	s0 =	sadd.s32 $0x8F2B, s0  }
0xbf: {  	[sflag:s0] =	ssyncadd.remote.s32 $0x1  }
0xc0: {  	_ =	sfence.sel $0xFFFF  }
0xc1: {  	[dreg:$0x0] =	wrdreg $0xFFFFFFFF;
	(pc) =	sbr.abs _section_cstart, $3  }
0xc2: {  	[dreg:$0x1] =	wrdreg $0xFFFFFFFF  }
0xc3: {  	_ =	task.clear_ibuf [dreg:s8], $0x2FFFF;
	_ =	strace $0x9FFFFFFF  }
0xc4: {  	(tm) =	ssettm $0x7FFFFFFF  }
0xc5: {  	_ =	shalt  }
tec
execute0_lowered:
.L_overlay_start_1:
0x0: {  	(tag) =	ssettag $0x1  }
0x1: {  	s0 =	rddreg [dreg:$0x0]  }
0x2: {  	s1 =	rddreg [dreg:$0x1]  }
0x3: {  	s2 =	rddreg [dreg:$0x2];
	s4 =	srdreg.scid;
	s3 =	simm.s32 $0x0  }
0x4: {  	s5 =	stileid.u32;
	s10 =	simm.s32 $0x3;
	s11 =	simm.s32 $0x200  }
0x5: {  	s12 =	simm.s32 $0x1;
	s13 =	simm.s32 $0xC200;
	s20 =	simm.s32 $0xFA00  }
0x6: {  	s21 =	simm.s32 $0x10200;
	s22 =	simm.s32 $0x10A00;
	s23 =	simm.s32 $0x11200  }
0x7: {  	s24 =	simm.s32 $0x11A00;
	s25 =	simm.s32 $0x12200;
	s28 =	simm.s32 $0x13200  }
0x8: {  	s29 =	simm.s32 $0x13A00;
	s30 =	simm.s32 $0x14200;
	s31 =	simm.s32 $0x14A00  }
0x9: {  	s14 =	simm.s32 $0x17200;
	s15 =	simm.s32 $0x17A00;
	s16 =	simm.s32 $0x2  }
0xa: {  	s18 =	simm.s32 $0x0;
	s4 =	sand.u32 $0x1, s4;
	[smem:$0x7FF] =	sst s3  }
0xb: {  	s5 =	sshll.u32 s5, $0xA;
	s2 =	sadd.s32 $0x1C00, s2;
	s6 =	sshll.u32 s4, $0x9  }
0xc: {  	_ =	strace $0x80000047;
	s4 =	ssub.s32 $0x2, s4;
	s5 =	sor.u32 s6, s5  }
0xd: {  	s7 =	sshrl.u32 s4, $0x1;
	s6 =	sshrl.u32 s5, $0x3;
	s5 =	sor.u32 $0x40, s5  }
0xe: {  	s4 =	ssub.s32 s4, s7;
	s7 =	simm.s32 $0x16A00;
	s8 =	smul.u32 $0x300, s6  }
.Ltmp0:
0xf: {  	s5 =	sshrl.u32 s5, $0x3;
	s0 =	sadd.s32 s0, s6;
	(pc) =	sbr.rel .LBB2_1-.Ltmp0, $4  }
0x10: {  	s6 =	sadd.s32 $0x200, s1;
	s4 =	smax.u32 s4, $0x1;
	[dreg:$0x4] =	wrdreg s0  }
0x11: {  	v2 =	vlaneseq.u32;
	s26 =	smul.u32 $0x300, s5;
	s5 =	sadd.s32 $0x100, s1;
	[dreg:$0x5] =	wrdreg s4  }
0x12: {  	vm0 =	vmmov $0xffff;
	v1 =	vshrl.u32 v2, $0x3;
	s0 =	simm.s32 $0x15200;
	s4 =	simm.s32 $0x16200;
	s8 =	sadd.s32 s8, s2  }
0x13: {  	v0 =	vand.u32 $0x7, v2;
	v2 =	vor.u32 $0x8, v2;
	v1 =	vmul.u32 $0x8, v1;
	s9 =	sadd.s32 s26, s2;
	s26 =	simm.s32 $0x12A00;
	s2 =	simm.s32 $0x15A00  }
.LBB2_5:
0x14: {  	s18 =	rddreg [dreg:$0x6]  }
0x15: {  	s17 =	rddreg [dreg:$0x5];
	s18 =	sadd.s32 $0x1, s18  }
0x16: {  	p0 =	sne.s32 s18, s17  }
.Ltmp1:
0x17: {  	_ = 	snop;
	(pc) =	sbr.rel @!p0 .LBB2_6-.Ltmp1, $1  }
0x18: {  	_ =	sdelay $0x3  }
.LBB2_1:
0x19: {  	[dreg:$0x6] =	wrdreg s18  }
0x1a: {  	s17 =	rddreg [dreg:$0x4]  }
0x1b: {  	[tilespmem:s3], [sflag:$0x3] =	stream.linear.gather [hbm4b:s17+s3], $0x200, $0x38;
	[tilespmem:$0x18200] =	vst v63  }
0x1c: {  	_ =	swait.ge [sflag:s10], $0x200  }
0x1d: {  	[sflag:s10] =	ssyncset.done $0x0  }
0x1e: {  	[sflag:s10] =	ssyncadd.s32 $0xFFFFFE00  }
0x1f: {  	v3 =	vld [tilespmem:$0x0];
	_ =	sdelay $0x4  }
0x20: {  	v4 =	vshrl.u32 v3, $0x3  }
0x21: {  	v4 =	vmul.u32 $0x30, v4  }
0x22: {  	v3 =	vand.u32 $0x7, v3  }
0x23: {  	v3 =	vor.u32 v3, v4  }
0x24: {  	v4 =	vperm.xlane v3, v0;
	_ =	sdelay $0x1  }
0x25: {  	v4 =	vadd.s32 v1, v4;
	_ =	sdelay $0x3  }
0x26: {  	v3 =	vperm.xlane v3, v2  }
0x27: {  	[tilespmem:s11], [sflag:$0x1] =	stream.indirect_vreg.gather [hbm4b:s1+s3], $0x80, v4, vm0, $0xb8;
	[tilespmem:$0x18200] =	vst v63  }
0x28: {  	s19 =	simm.s32 $0xA00;
	v3 =	vadd.s32 v1, v3  }
0x29: {  	[tilespmem:s19], [sflag:$0x1] =	stream.indirect_vreg.gather [hbm4b:s5+s3], $0x80, v4, vm0, $0xb8;
	[tilespmem:$0x18200] =	vst v63  }
0x2a: {  	s18 =	simm.s32 $0x1200  }
0x2b: {  	[tilespmem:s18], [sflag:$0x1] =	stream.indirect_vreg.gather [hbm4b:s6+s3], $0x80, v4, vm0, $0xb8;
	[tilespmem:$0x18200] =	vst v63  }
0x2c: {  	s19 =	simm.s32 $0x1A00  }
0x2d: {  	[tilespmem:s19], [sflag:$0x1] =	stream.indirect_vreg.gather [hbm4b:s1+s3], $0x80, v3, vm0, $0xb8;
	[tilespmem:$0x18200] =	vst v63  }
0x2e: {  	s18 =	simm.s32 $0x2200  }
0x2f: {  	[tilespmem:s18], [sflag:$0x1] =	stream.indirect_vreg.gather [hbm4b:s5+s3], $0x80, v3, vm0, $0xb8;
	[tilespmem:$0x18200] =	vst v63  }
0x30: {  	s19 =	simm.s32 $0x2A00  }
0x31: {  	[tilespmem:s19], [sflag:$0x1] =	stream.indirect_vreg.gather [hbm4b:s6+s3], $0x80, v3, vm0, $0xb8;
	[tilespmem:$0x18200] =	vst v63  }
0x32: {  	v3 =	vld [tilespmem:$0x10];
	_ =	sdelay $0x4  }
0x33: {  	v61 =	vshrl.u32 v3, $0x3  }
0x34: {  	v4 =	vmul.u32 $0x30, v61  }
0x35: {  	v3 =	vand.u32 $0x7, v3  }
0x36: {  	v3 =	vor.u32 v3, v4  }
0x37: {  	v4 =	vperm.xlane v3, v0;
	_ =	sdelay $0x1  }
0x38: {  	v4 =	vadd.s32 v1, v4;
	_ =	sdelay $0x3  }
0x39: {  	s18 =	simm.s32 $0x3200;
	v3 =	vperm.xlane v3, v2  }
0x3a: {  	[tilespmem:s18], [sflag:$0x1] =	stream.indirect_vreg.gather [hbm4b:s1+s3], $0x80, v4, vm0, $0xb8;
	[tilespmem:$0x18200] =	vst v63  }
0x3b: {  	s19 =	simm.s32 $0x3A00;
	v3 =	vadd.s32 v1, v3  }
0x3c: {  	[tilespmem:s19], [sflag:$0x1] =	stream.indirect_vreg.gather [hbm4b:s5+s3], $0x80, v4, vm0, $0xb8;
	[tilespmem:$0x18200] =	vst v63  }
0x3d: {  	s18 =	simm.s32 $0x4200  }
0x3e: {  	[tilespmem:s18], [sflag:$0x1] =	stream.indirect_vreg.gather [hbm4b:s6+s3], $0x80, v4, vm0, $0xb8;
	[tilespmem:$0x18200] =	vst v63  }
0x3f: {  	s19 =	simm.s32 $0x4A00  }
0x40: {  	[tilespmem:s19], [sflag:$0x1] =	stream.indirect_vreg.gather [hbm4b:s1+s3], $0x80, v3, vm0, $0xb8;
	[tilespmem:$0x18200] =	vst v63  }
0x41: {  	s18 =	simm.s32 $0x5200  }
0x42: {  	[tilespmem:s18], [sflag:$0x1] =	stream.indirect_vreg.gather [hbm4b:s5+s3], $0x80, v3, vm0, $0xb8;
	[tilespmem:$0x18200] =	vst v63  }
0x43: {  	s19 =	simm.s32 $0x5A00  }
0x44: {  	[tilespmem:s19], [sflag:$0x1] =	stream.indirect_vreg.gather [hbm4b:s6+s3], $0x80, v3, vm0, $0xb8;
	[tilespmem:$0x18200] =	vst v63  }
0x45: {  	v3 =	vld [tilespmem:$0x20];
	_ =	sdelay $0x4  }
0x46: {  	v62 =	vshrl.u32 v3, $0x3  }
0x47: {  	v4 =	vmul.u32 $0x30, v62  }
0x48: {  	v3 =	vand.u32 $0x7, v3  }
0x49: {  	v3 =	vor.u32 v3, v4  }
0x4a: {  	v4 =	vperm.xlane v3, v0;
	_ =	sdelay $0x1  }
0x4b: {  	v4 =	vadd.s32 v1, v4;
	_ =	sdelay $0x3  }
0x4c: {  	s18 =	simm.s32 $0x6200;
	v3 =	vperm.xlane v3, v2  }
0x4d: {  	[tilespmem:s18], [sflag:$0x1] =	stream.indirect_vreg.gather [hbm4b:s1+s3], $0x80, v4, vm0, $0xb8;
	[tilespmem:$0x18200] =	vst v63  }
0x4e: {  	s19 =	simm.s32 $0x6A00;
	v3 =	vadd.s32 v1, v3  }
0x4f: {  	[tilespmem:s19], [sflag:$0x1] =	stream.indirect_vreg.gather [hbm4b:s5+s3], $0x80, v4, vm0, $0xb8;
	[tilespmem:$0x18200] =	vst v63  }
0x50: {  	s18 =	simm.s32 $0x7200  }
0x51: {  	[tilespmem:s18], [sflag:$0x1] =	stream.indirect_vreg.gather [hbm4b:s6+s3], $0x80, v4, vm0, $0xb8;
	[tilespmem:$0x18200] =	vst v63  }
0x52: {  	s19 =	simm.s32 $0x7A00  }
0x53: {  	[tilespmem:s19], [sflag:$0x1] =	stream.indirect_vreg.gather [hbm4b:s1+s3], $0x80, v3, vm0, $0xb8;
	[tilespmem:$0x18200] =	vst v63  }
0x54: {  	s18 =	simm.s32 $0x8200  }
0x55: {  	[tilespmem:s18], [sflag:$0x1] =	stream.indirect_vreg.gather [hbm4b:s5+s3], $0x80, v3, vm0, $0xb8;
	[tilespmem:$0x18200] =	vst v63  }
0x56: {  	s19 =	simm.s32 $0x8A00  }
0x57: {  	[tilespmem:s19], [sflag:$0x1] =	stream.indirect_vreg.gather [hbm4b:s6+s3], $0x80, v3, vm0, $0xb8;
	[tilespmem:$0x18200] =	vst v63  }
0x58: {  	v3 =	vld [tilespmem:$0x30];
	_ =	sdelay $0x4  }
0x59: {  	v63 =	vshrl.u32 v3, $0x3  }
0x5a: {  	v4 =	vmul.u32 $0x30, v63  }
0x5b: {  	v3 =	vand.u32 $0x7, v3  }
0x5c: {  	v3 =	vor.u32 v3, v4  }
0x5d: {  	v4 =	vperm.xlane v3, v0;
	_ =	sdelay $0x1  }
0x5e: {  	v4 =	vadd.s32 v1, v4;
	_ =	sdelay $0x3  }
0x5f: {  	s18 =	simm.s32 $0x9200;
	v3 =	vperm.xlane v3, v2  }
0x60: {  	[tilespmem:s18], [sflag:$0x1] =	stream.indirect_vreg.gather [hbm4b:s1+s3], $0x80, v4, vm0, $0xb8;
	[tilespmem:$0x18200] =	vst v63  }
0x61: {  	s19 =	simm.s32 $0x9A00;
	v3 =	vadd.s32 v1, v3  }
0x62: {  	[tilespmem:s19], [sflag:$0x1] =	stream.indirect_vreg.gather [hbm4b:s5+s3], $0x80, v4, vm0, $0xb8;
	[tilespmem:$0x18200] =	vst v63  }
0x63: {  	s18 =	simm.s32 $0xA200  }
0x64: {  	[tilespmem:s18], [sflag:$0x1] =	stream.indirect_vreg.gather [hbm4b:s6+s3], $0x80, v4, vm0, $0xb8;
	[tilespmem:$0x18200] =	vst v63  }
0x65: {  	s19 =	simm.s32 $0xAA00  }
0x66: {  	[tilespmem:s19], [sflag:$0x1] =	stream.indirect_vreg.gather [hbm4b:s1+s3], $0x80, v3, vm0, $0xb8;
	[tilespmem:$0x18200] =	vst v63  }
.Ltmp2:
0x67: {  	_ = 	snop;
	(pc) =	sbr.rel .LBB2_2-.Ltmp2, $4  }
0x68: {  	s18 =	simm.s32 $0xB200  }
0x69: {  	[tilespmem:s18], [sflag:$0x1] =	stream.indirect_vreg.gather [hbm4b:s5+s3], $0x80, v3, vm0, $0xb8;
	[tilespmem:$0x18200] =	vst v63  }
0x6a: {  	s17 =	simm.s32 $0x60;
	s19 =	simm.s32 $0xBA00;
	s18 =	simm.s32 $0x0  }
0x6b: {  	[tilespmem:s19], [sflag:$0x1] =	stream.indirect_vreg.gather [hbm4b:s6+s3], $0x80, v3, vm0, $0xb8;
	[tilespmem:$0x18200] =	vst v63  }
.LBB2_4:
0x6c: {  	s19 =	sadd.s32 s18, s9;
	s18 =	sadd.s32 $0x3000, s18  }
0x6d: {  	p0 =	sne.s32 s18, $0xC000  }
.Ltmp3:
0x6e: {  	_ = 	snop;
	(pc) =	sbr.rel @!p0 .LBB2_5-.Ltmp3, $4  }
0x6f: {  	[hbm4b:s19+s3] =	stream.linear.scatter [tilespmem:s13], [sflag:$0x3], $0xC000, $0x38;
	[tilespmem:$0x18200] =	vst v63  }
0x70: {  	_ =	swait.ge [sflag:s10], $0xC000  }
0x71: {  	[sflag:s10] =	ssyncset.done $0x0  }
0x72: {  	s17 =	sadd.s32 $0x80, s17;
	[sflag:s10] =	ssyncadd.s32 $0xFFFF4000  }
.LBB2_2:
0x73: {  	_ =	swait.ge [sflag:s12], $0xC000  }
0x74: {  	[sflag:s12] =	ssyncset.done $0x0  }
0x75: {  	[sflag:s12] =	ssyncadd.s32 $0xFFFF4000  }
0x76: {  	v3 =	vld [tilespmem:s17+$0xFFFFFFE0];
	_ =	sdelay $0x4  }
0x77: {  	v4 =	vshrl.u32 v3, $0x3  }
0x78: {  	v4 =	vmul.u32 $0x30, v4  }
0x79: {  	v3 =	vand.u32 $0x7, v3  }
0x7a: {  	v3 =	vor.u32 v3, v4  }
0x7b: {  	v4 =	vperm.xlane v3, v0;
	_ =	sdelay $0x1  }
0x7c: {  	v4 =	vadd.s32 v1, v4;
	_ =	sdelay $0x3  }
0x7d: {  	v3 =	vperm.xlane v3, v2  }
0x7e: {  	[tilespmem:s13], [sflag:$0x2] =	stream.indirect_vreg.gather [hbm4b:s1+s3], $0x80, v4, vm0, $0xb8;
	[tilespmem:$0x18200] =	vst v63  }
0x7f: {  	s19 =	simm.s32 $0xCA00;
	v3 =	vadd.s32 v1, v3  }
0x80: {  	[tilespmem:s19], [sflag:$0x2] =	stream.indirect_vreg.gather [hbm4b:s5+s3], $0x80, v4, vm0, $0xb8;
	[tilespmem:$0x18200] =	vst v63  }
0x81: {  	s19 =	simm.s32 $0xD200  }
0x82: {  	[tilespmem:s19], [sflag:$0x2] =	stream.indirect_vreg.gather [hbm4b:s6+s3], $0x80, v4, vm0, $0xb8;
	[tilespmem:$0x18200] =	vst v63  }
0x83: {  	s19 =	simm.s32 $0xDA00  }
0x84: {  	[tilespmem:s19], [sflag:$0x2] =	stream.indirect_vreg.gather [hbm4b:s1+s3], $0x80, v3, vm0, $0xb8;
	[tilespmem:$0x18200] =	vst v63  }
0x85: {  	s19 =	simm.s32 $0xE200  }
0x86: {  	[tilespmem:s19], [sflag:$0x2] =	stream.indirect_vreg.gather [hbm4b:s5+s3], $0x80, v3, vm0, $0xb8;
	[tilespmem:$0x18200] =	vst v63  }
0x87: {  	s19 =	simm.s32 $0xEA00  }
0x88: {  	[tilespmem:s19], [sflag:$0x2] =	stream.indirect_vreg.gather [hbm4b:s6+s3], $0x80, v3, vm0, $0xb8;
	[tilespmem:$0x18200] =	vst v63  }
0x89: {  	v3 =	vld [tilespmem:s17+$0xFFFFFFF0];
	_ =	sdelay $0x4  }
0x8a: {  	v61 =	vshrl.u32 v3, $0x3  }
0x8b: {  	v4 =	vmul.u32 $0x30, v61  }
0x8c: {  	v3 =	vand.u32 $0x7, v3  }
0x8d: {  	v3 =	vor.u32 v3, v4  }
0x8e: {  	v4 =	vperm.xlane v3, v0;
	_ =	sdelay $0x1  }
0x8f: {  	v4 =	vadd.s32 v1, v4;
	_ =	sdelay $0x3  }
0x90: {  	s19 =	simm.s32 $0xF200;
	v3 =	vperm.xlane v3, v2  }
0x91: {  	[tilespmem:s19], [sflag:$0x2] =	stream.indirect_vreg.gather [hbm4b:s1+s3], $0x80, v4, vm0, $0xb8;
	[tilespmem:$0x18200] =	vst v63  }
0x92: {  	v3 =	vadd.s32 v1, v3  }
0x93: {  	[tilespmem:s20], [sflag:$0x2] =	stream.indirect_vreg.gather [hbm4b:s5+s3], $0x80, v4, vm0, $0xb8;
	[tilespmem:$0x18200] =	vst v63  }
0x94: {  	_ = 	snop  }
0x95: {  	[tilespmem:s21], [sflag:$0x2] =	stream.indirect_vreg.gather [hbm4b:s6+s3], $0x80, v4, vm0, $0xb8;
	[tilespmem:$0x18200] =	vst v63  }
0x96: {  	_ = 	snop  }
0x97: {  	[tilespmem:s22], [sflag:$0x2] =	stream.indirect_vreg.gather [hbm4b:s1+s3], $0x80, v3, vm0, $0xb8;
	[tilespmem:$0x18200] =	vst v63  }
0x98: {  	_ = 	snop  }
0x99: {  	[tilespmem:s23], [sflag:$0x2] =	stream.indirect_vreg.gather [hbm4b:s5+s3], $0x80, v3, vm0, $0xb8;
	[tilespmem:$0x18200] =	vst v63  }
0x9a: {  	_ = 	snop  }
0x9b: {  	[tilespmem:s24], [sflag:$0x2] =	stream.indirect_vreg.gather [hbm4b:s6+s3], $0x80, v3, vm0, $0xb8;
	[tilespmem:$0x18200] =	vst v63  }
0x9c: {  	v3 =	vld [tilespmem:s17+$0x0];
	_ =	sdelay $0x4  }
0x9d: {  	v62 =	vshrl.u32 v3, $0x3  }
0x9e: {  	v4 =	vmul.u32 $0x30, v62  }
0x9f: {  	v3 =	vand.u32 $0x7, v3  }
0xa0: {  	v3 =	vor.u32 v3, v4  }
0xa1: {  	v4 =	vperm.xlane v3, v0;
	_ =	sdelay $0x1  }
0xa2: {  	v4 =	vadd.s32 v1, v4;
	_ =	sdelay $0x3  }
0xa3: {  	v3 =	vperm.xlane v3, v2  }
0xa4: {  	[tilespmem:s25], [sflag:$0x2] =	stream.indirect_vreg.gather [hbm4b:s1+s3], $0x80, v4, vm0, $0xb8;
	[tilespmem:$0x18200] =	vst v63  }
0xa5: {  	v3 =	vadd.s32 v1, v3  }
0xa6: {  	[tilespmem:s26], [sflag:$0x2] =	stream.indirect_vreg.gather [hbm4b:s5+s3], $0x80, v4, vm0, $0xb8;
	[tilespmem:$0x18200] =	vst v63  }
0xa7: {  	_ = 	snop  }
0xa8: {  	[tilespmem:s28], [sflag:$0x2] =	stream.indirect_vreg.gather [hbm4b:s6+s3], $0x80, v4, vm0, $0xb8;
	[tilespmem:$0x18200] =	vst v63  }
0xa9: {  	_ = 	snop  }
0xaa: {  	[tilespmem:s29], [sflag:$0x2] =	stream.indirect_vreg.gather [hbm4b:s1+s3], $0x80, v3, vm0, $0xb8;
	[tilespmem:$0x18200] =	vst v63  }
0xab: {  	_ = 	snop  }
0xac: {  	[tilespmem:s30], [sflag:$0x2] =	stream.indirect_vreg.gather [hbm4b:s5+s3], $0x80, v3, vm0, $0xb8;
	[tilespmem:$0x18200] =	vst v63  }
0xad: {  	_ = 	snop  }
0xae: {  	[tilespmem:s31], [sflag:$0x2] =	stream.indirect_vreg.gather [hbm4b:s6+s3], $0x80, v3, vm0, $0xb8;
	[tilespmem:$0x18200] =	vst v63  }
0xaf: {  	v3 =	vld [tilespmem:s17+$0x10];
	_ =	sdelay $0x4  }
0xb0: {  	v63 =	vshrl.u32 v3, $0x3  }
0xb1: {  	v4 =	vmul.u32 $0x30, v63  }
0xb2: {  	v3 =	vand.u32 $0x7, v3  }
0xb3: {  	v3 =	vor.u32 v3, v4  }
0xb4: {  	v4 =	vperm.xlane v3, v0;
	_ =	sdelay $0x1  }
0xb5: {  	v4 =	vadd.s32 v1, v4;
	_ =	sdelay $0x3  }
0xb6: {  	v3 =	vperm.xlane v3, v2  }
0xb7: {  	[tilespmem:s0], [sflag:$0x2] =	stream.indirect_vreg.gather [hbm4b:s1+s3], $0x80, v4, vm0, $0xb8;
	[tilespmem:$0x18200] =	vst v63  }
0xb8: {  	v3 =	vadd.s32 v1, v3  }
0xb9: {  	[tilespmem:s2], [sflag:$0x2] =	stream.indirect_vreg.gather [hbm4b:s5+s3], $0x80, v4, vm0, $0xb8;
	[tilespmem:$0x18200] =	vst v63  }
0xba: {  	_ = 	snop  }
0xbb: {  	[tilespmem:s4], [sflag:$0x2] =	stream.indirect_vreg.gather [hbm4b:s6+s3], $0x80, v4, vm0, $0xb8;
	[tilespmem:$0x18200] =	vst v63  }
0xbc: {  	_ = 	snop  }
0xbd: {  	[tilespmem:s7], [sflag:$0x2] =	stream.indirect_vreg.gather [hbm4b:s1+s3], $0x80, v3, vm0, $0xb8;
	[tilespmem:$0x18200] =	vst v63  }
0xbe: {  	_ = 	snop  }
0xbf: {  	[tilespmem:s14], [sflag:$0x2] =	stream.indirect_vreg.gather [hbm4b:s5+s3], $0x80, v3, vm0, $0xb8;
	[tilespmem:$0x18200] =	vst v63  }
0xc0: {  	_ = 	snop  }
0xc1: {  	[tilespmem:s15], [sflag:$0x2] =	stream.indirect_vreg.gather [hbm4b:s6+s3], $0x80, v3, vm0, $0xb8;
	[tilespmem:$0x18200] =	vst v63  }
0xc2: {  	s19 =	sadd.s32 s18, s8  }
0xc3: {  	[hbm4b:s19+s3] =	stream.linear.scatter [tilespmem:s11], [sflag:$0x3], $0xC000, $0x38;
	[tilespmem:$0x18200] =	vst v63  }
0xc4: {  	p0 =	seq.s32 s18, $0x9000;
	_ =	swait.ge [sflag:s10], $0xC000  }
.Ltmp4:
0xc5: {  	[sflag:s10] =	ssyncset.done $0x0;
	(pc) =	sbr.rel @p0 .LBB2_4-.Ltmp4, $4  }
0xc6: {  	[sflag:s10] =	ssyncadd.s32 $0xFFFF4000  }
0xc7: {  	_ =	swait.ge [sflag:s16], $0xC000  }
0xc8: {  	[sflag:s16] =	ssyncset.done $0x0  }
0xc9: {  	[sflag:s16] =	ssyncadd.s32 $0xFFFF4000  }
0xca: {  	v3 =	vld [tilespmem:s17+$0x20];
	_ =	sdelay $0x4  }
0xcb: {  	v4 =	vshrl.u32 v3, $0x3  }
0xcc: {  	v4 =	vmul.u32 $0x30, v4  }
0xcd: {  	v3 =	vand.u32 $0x7, v3  }
0xce: {  	v3 =	vor.u32 v3, v4  }
0xcf: {  	v4 =	vperm.xlane v3, v0;
	_ =	sdelay $0x1  }
0xd0: {  	v4 =	vadd.s32 v1, v4;
	_ =	sdelay $0x3  }
0xd1: {  	v3 =	vperm.xlane v3, v2  }
0xd2: {  	[tilespmem:s11], [sflag:$0x1] =	stream.indirect_vreg.gather [hbm4b:s1+s3], $0x80, v4, vm0, $0xb8;
	[tilespmem:$0x18200] =	vst v63  }
0xd3: {  	s19 =	simm.s32 $0xA00;
	v3 =	vadd.s32 v1, v3  }
0xd4: {  	[tilespmem:s19], [sflag:$0x1] =	stream.indirect_vreg.gather [hbm4b:s5+s3], $0x80, v4, vm0, $0xb8;
	[tilespmem:$0x18200] =	vst v63  }
0xd5: {  	s19 =	simm.s32 $0x1200  }
0xd6: {  	[tilespmem:s19], [sflag:$0x1] =	stream.indirect_vreg.gather [hbm4b:s6+s3], $0x80, v4, vm0, $0xb8;
	[tilespmem:$0x18200] =	vst v63  }
0xd7: {  	s19 =	simm.s32 $0x1A00  }
0xd8: {  	[tilespmem:s19], [sflag:$0x1] =	stream.indirect_vreg.gather [hbm4b:s1+s3], $0x80, v3, vm0, $0xb8;
	[tilespmem:$0x18200] =	vst v63  }
0xd9: {  	s19 =	simm.s32 $0x2200  }
0xda: {  	[tilespmem:s19], [sflag:$0x1] =	stream.indirect_vreg.gather [hbm4b:s5+s3], $0x80, v3, vm0, $0xb8;
	[tilespmem:$0x18200] =	vst v63  }
0xdb: {  	s19 =	simm.s32 $0x2A00  }
0xdc: {  	[tilespmem:s19], [sflag:$0x1] =	stream.indirect_vreg.gather [hbm4b:s6+s3], $0x80, v3, vm0, $0xb8;
	[tilespmem:$0x18200] =	vst v63  }
0xdd: {  	v3 =	vld [tilespmem:s17+$0x30];
	_ =	sdelay $0x4  }
0xde: {  	v61 =	vshrl.u32 v3, $0x3  }
0xdf: {  	v4 =	vmul.u32 $0x30, v61  }
0xe0: {  	v3 =	vand.u32 $0x7, v3  }
0xe1: {  	v3 =	vor.u32 v3, v4  }
0xe2: {  	v4 =	vperm.xlane v3, v0;
	_ =	sdelay $0x1  }
0xe3: {  	v4 =	vadd.s32 v1, v4;
	_ =	sdelay $0x3  }
0xe4: {  	s19 =	simm.s32 $0x3200;
	v3 =	vperm.xlane v3, v2  }
0xe5: {  	[tilespmem:s19], [sflag:$0x1] =	stream.indirect_vreg.gather [hbm4b:s1+s3], $0x80, v4, vm0, $0xb8;
	[tilespmem:$0x18200] =	vst v63  }
0xe6: {  	v3 =	vadd.s32 v1, v3;
	s19 =	simm.s32 $0x3A00  }
0xe7: {  	[tilespmem:s19], [sflag:$0x1] =	stream.indirect_vreg.gather [hbm4b:s5+s3], $0x80, v4, vm0, $0xb8;
	[tilespmem:$0x18200] =	vst v63  }
0xe8: {  	s19 =	simm.s32 $0x4200  }
0xe9: {  	[tilespmem:s19], [sflag:$0x1] =	stream.indirect_vreg.gather [hbm4b:s6+s3], $0x80, v4, vm0, $0xb8;
	[tilespmem:$0x18200] =	vst v63  }
0xea: {  	s19 =	simm.s32 $0x4A00  }
0xeb: {  	[tilespmem:s19], [sflag:$0x1] =	stream.indirect_vreg.gather [hbm4b:s1+s3], $0x80, v3, vm0, $0xb8;
	[tilespmem:$0x18200] =	vst v63  }
0xec: {  	s19 =	simm.s32 $0x5200  }
0xed: {  	[tilespmem:s19], [sflag:$0x1] =	stream.indirect_vreg.gather [hbm4b:s5+s3], $0x80, v3, vm0, $0xb8;
	[tilespmem:$0x18200] =	vst v63  }
0xee: {  	s19 =	simm.s32 $0x5A00  }
0xef: {  	[tilespmem:s19], [sflag:$0x1] =	stream.indirect_vreg.gather [hbm4b:s6+s3], $0x80, v3, vm0, $0xb8;
	[tilespmem:$0x18200] =	vst v63  }
0xf0: {  	v3 =	vld [tilespmem:s17+$0x40];
	_ =	sdelay $0x4  }
0xf1: {  	v62 =	vshrl.u32 v3, $0x3  }
0xf2: {  	v4 =	vmul.u32 $0x30, v62  }
0xf3: {  	v3 =	vand.u32 $0x7, v3  }
0xf4: {  	v3 =	vor.u32 v3, v4  }
0xf5: {  	v4 =	vperm.xlane v3, v0;
	_ =	sdelay $0x1  }
0xf6: {  	v4 =	vadd.s32 v1, v4;
	_ =	sdelay $0x3  }
0xf7: {  	s19 =	simm.s32 $0x6200;
	v3 =	vperm.xlane v3, v2  }
0xf8: {  	[tilespmem:s19], [sflag:$0x1] =	stream.indirect_vreg.gather [hbm4b:s1+s3], $0x80, v4, vm0, $0xb8;
	[tilespmem:$0x18200] =	vst v63  }
0xf9: {  	v3 =	vadd.s32 v1, v3;
	s19 =	simm.s32 $0x6A00  }
0xfa: {  	[tilespmem:s19], [sflag:$0x1] =	stream.indirect_vreg.gather [hbm4b:s5+s3], $0x80, v4, vm0, $0xb8;
	[tilespmem:$0x18200] =	vst v63  }
0xfb: {  	s19 =	simm.s32 $0x7200  }
0xfc: {  	[tilespmem:s19], [sflag:$0x1] =	stream.indirect_vreg.gather [hbm4b:s6+s3], $0x80, v4, vm0, $0xb8;
	[tilespmem:$0x18200] =	vst v63  }
0xfd: {  	s19 =	simm.s32 $0x7A00  }
0xfe: {  	[tilespmem:s19], [sflag:$0x1] =	stream.indirect_vreg.gather [hbm4b:s1+s3], $0x80, v3, vm0, $0xb8;
	[tilespmem:$0x18200] =	vst v63  }
0xff: {  	s19 =	simm.s32 $0x8200  }
0x100: {  	[tilespmem:s19], [sflag:$0x1] =	stream.indirect_vreg.gather [hbm4b:s5+s3], $0x80, v3, vm0, $0xb8;
	[tilespmem:$0x18200] =	vst v63  }
0x101: {  	s19 =	simm.s32 $0x8A00  }
0x102: {  	[tilespmem:s19], [sflag:$0x1] =	stream.indirect_vreg.gather [hbm4b:s6+s3], $0x80, v3, vm0, $0xb8;
	[tilespmem:$0x18200] =	vst v63  }
0x103: {  	v3 =	vld [tilespmem:s17+$0x50];
	_ =	sdelay $0x4  }
0x104: {  	v63 =	vshrl.u32 v3, $0x3  }
0x105: {  	v4 =	vmul.u32 $0x30, v63  }
0x106: {  	v3 =	vand.u32 $0x7, v3  }
0x107: {  	v3 =	vor.u32 v3, v4  }
0x108: {  	v4 =	vperm.xlane v3, v0;
	_ =	sdelay $0x1  }
0x109: {  	v4 =	vadd.s32 v1, v4;
	_ =	sdelay $0x3  }
0x10a: {  	s19 =	simm.s32 $0x9200;
	v3 =	vperm.xlane v3, v2  }
0x10b: {  	[tilespmem:s19], [sflag:$0x1] =	stream.indirect_vreg.gather [hbm4b:s1+s3], $0x80, v4, vm0, $0xb8;
	[tilespmem:$0x18200] =	vst v63  }
0x10c: {  	v3 =	vadd.s32 v1, v3;
	s19 =	simm.s32 $0x9A00  }
0x10d: {  	[tilespmem:s19], [sflag:$0x1] =	stream.indirect_vreg.gather [hbm4b:s5+s3], $0x80, v4, vm0, $0xb8;
	[tilespmem:$0x18200] =	vst v63  }
0x10e: {  	s19 =	simm.s32 $0xA200  }
0x10f: {  	[tilespmem:s19], [sflag:$0x1] =	stream.indirect_vreg.gather [hbm4b:s6+s3], $0x80, v4, vm0, $0xb8;
	[tilespmem:$0x18200] =	vst v63  }
0x110: {  	s19 =	simm.s32 $0xAA00  }
0x111: {  	[tilespmem:s19], [sflag:$0x1] =	stream.indirect_vreg.gather [hbm4b:s1+s3], $0x80, v3, vm0, $0xb8;
	[tilespmem:$0x18200] =	vst v63  }
.Ltmp5:
0x112: {  	_ = 	snop;
	(pc) =	sbr.rel .LBB2_4-.Ltmp5, $4  }
0x113: {  	s19 =	simm.s32 $0xB200  }
0x114: {  	[tilespmem:s19], [sflag:$0x1] =	stream.indirect_vreg.gather [hbm4b:s5+s3], $0x80, v3, vm0, $0xb8;
	[tilespmem:$0x18200] =	vst v63  }
0x115: {  	s19 =	simm.s32 $0xBA00  }
0x116: {  	[tilespmem:s19], [sflag:$0x1] =	stream.indirect_vreg.gather [hbm4b:s6+s3], $0x80, v3, vm0, $0xb8;
	[tilespmem:$0x18200] =	vst v63  }
.LBB2_6:
0x117: {  	_ =	sfence.sel $0x180000  }
0x118: {  	[bflag:$0x0] =	sbarrier.arrive $0xFFFF  }
0x119: {  	_ =	strace $0x90000047  }
0x11a: {  	s0 =	stileid.u32;
	[bflag:$0x2] =	sbarrier.arrive $0xFFFF  }
0x11b: {  	p0 =	sne.s32 s0, $0x0;
	s0 =	rddreg [dreg:$0x3]  }
0x11c: {  	s0 =	sadd.s32 @!p0 $0x100000, s0  }
0x11d: {  	[sflag:s0] =	ssyncadd.tile.s32 @!p0 $0x1;
	_ =	shalt  }
.Lfunc_end2:
_tile_overlayer_lowered:
.L_overlay_start_2:
0x11e: {  	(tag) =	ssettag $0x2  }
0x11f: {  	s0 =	rddreg [dreg:$0x0];
	s2 =	stileid.u32  }
0x120: {  	s1 =	rddreg [dreg:$0x1];
	p0 =	sne.s32 s2, $0x0  }
0x121: {  	s3 =	rddreg [dreg:$0x2];
	[bflag:$0x3] =	sbarrier.arrive $0xFFFF;
	s2 =	simm.s32 @!p0 $0x1C03  }
0x122: {  	[timem:s3], [sflag:s2] =	dma.local @!p0 [hbm:s0], s1  }
0x123: {  	s0 =	simm.s32 @!p0 $0x3  }
0x124: {  	_ =	swait.ge @!p0 [sflag:s0], s1  }
0x125: {  	s1 =	ssub.s32 @!p0 $0x0, s1;
	[sflag:s0] =	ssyncset.done @!p0 $0x0  }
0x126: {  	[sflag:s0] =	ssyncadd.s32 @!p0 s1  }
0x127: {  	[bflag:$0x3] =	sbarrier.arrive $0xFFFF  }
0x128: {  	_ =	shalt  }

// kernel: kernel.9.cloned.1.call-start
scs
__scs_entry_jumppad:
0x0: {  	(pc) =	sbr.rel $0x88, $3  }
0x1: {  	(tag) =	ssettag $0x0;
	lr =	simm.s32 $0x1  }
0x2: {  	[smem:$0x3F96] =	sst lr;
	_ =	strace $0xD0000000  }
0x3: {  	_ = 	snop  }
0x4: {  	_ = 	snop  }
0x5: {  	_ = 	snop  }
0x6: {  	_ = 	snop  }
0x7: {  	_ = 	snop  }
__scs_overlays_trampoline_lowered:
0x8: {  	[smem:$0x3FA5] =	sst s0  }
0x9: {  	[smem:$0x3FA6] =	sst s1  }
0xa: {  	[smem:$0x3FA7] =	sst s2  }
0xb: {  	[smem:$0x3FA8] =	sst s3  }
0xc: {  	[smem:$0x3FA9] =	sst s4  }
0xd: {  	[smem:$0x3FAA] =	sst s5  }
0xe: {  	[smem:$0x3FAB] =	sst s6  }
0xf: {  	[smem:$0x3FAC] =	sst s7  }
0x10: {  	[smem:$0x3FAD] =	sst s8  }
0x11: {  	[smem:$0x3FAE] =	sst s9;
	s0 =	simm.s32 @!p0 $0x0  }
0x12: {  	s1 =	sld [smem:$0x3F94];
	s0 =	simm.s32 @p0 $0x1  }
0x13: {  	[smem:$0x3FAF] =	sst s0;
	s0 =	simm.s32 @!p1 $0x0  }
0x14: {  	s2 =	sld [smem:$0x3F93];
	s0 =	simm.s32 @p1 $0x1  }
0x15: {  	[smem:$0x3FB0] =	sst s0;
	s0 =	simm.s32 @!p2 $0x0  }
0x16: {  	s3 =	sld [smem:$0x3FDB];
	s0 =	simm.s32 @p2 $0x1  }
0x17: {  	s4 =	simm.s32 $0x1BF5;
	[smem:$0x3FB2] =	sst s0  }
0x18: {  	s0 =	sld [smem:$0x3F95];
	_ =	swait.ge [sflag:s4], $0x0  }
0x19: {  	s7 =	sld [smem:$0x3F96]  }
0x1a: {  	s8 =	sadd.s32 $0xFFFFE003, lr  }
0x1b: {  	s9 =	sadd.s32 $0xFFFFFEF7, lr;
	s5 =	simm.s32 $0xFFFFFFFF;
	p2 =	slt.u32 s8, $0xFFFFF086  }
0x1c: {  	p1 =	slt.u32 s9, $0xF7A;
	s5 =	simm.s32 @!p2 $0x0  }
0x1d: {  	s5 =	simm.s32 @p1 $0x1;
	p0 =	seq.s32 s7, s2  }
0x1e: {  	s7 =	smul.u32 @!p0 $0xF7A, s2;
	p2 =	seq.s32 @!p0 s5, $0x0  }
0x1f: {  	s9 =	smul.u32 $0xF7A, s1;
	s8 =	simm.s32 @!p0 $0x1BF5;
	p2 =	por !p2, p0  }
0x20: {  	[sflag:s8] =	ssyncset.s32 @!p0 $0xFFFFF086;
	s6 =	sadd.s32 @!p0 s3, s7;
	s7 =	simm.s32 @!p0 $0x108  }
0x21: {  	s3 =	sadd.s32 s3, s9;
	s6 =	sadd.s32 @!p0 $0x88, s6;
	s7 =	simm.s32 @p2 $0x1082  }
0x22: {  	[simem:s7], [sflag:s8] =	dma.local @!p0 [hbm:s6], $0xF7A  }
0x23: {  	s9 =	sor.u32 $0xD0000000, s2;
	s6 =	simm.s32 $0x108;
	_ =	swait.ge @!p0 [sflag:s8], $0x0  }
0x24: {  	s3 =	sadd.s32 $0x88, s3;
	s6 =	simm.s32 @!p1 $0x1082;
	[sflag:s4] =	ssyncset.s32 $0xFFFFF086  }
0x25: {  	[simem:s6], [sflag:s4] =	dma.local [hbm:s3], $0xF7A  }
0x26: {  	[smem:$0x3F96] =	sst s1;
	(tag) =	ssettag s2;
	_ =	strace s9  }
0x27: {  	s1 =	sld [smem:$0x3FA6]  }
0x28: {  	s2 =	sld [smem:$0x3FA7]  }
0x29: {  	s4 =	sld [smem:$0x3FA9]  }
0x2a: {  	p0 =	seq.s32 s5, $0x0;
	s5 =	sld [smem:$0x3FAA]  }
0x2b: {  	s6 =	sld [smem:$0x3FAB]  }
0x2c: {  	s7 =	sld [smem:$0x3FAC]  }
0x2d: {  	s3 =	simm.s32 $0x108;
	s8 =	sld [smem:$0x3FAD]  }
0x2e: {  	s3 =	simm.s32 @!p0 $0x1082;
	s9 =	sld [smem:$0x3FAE]  }
0x2f: {  	lr =	sadd.s32 s0, s3;
	s0 =	sld [smem:$0x3FA5]  }
0x30: {  	s3 =	sld [smem:$0x3FA8]  }
0x31: {  	[smem:$0x3FB1] =	sst s10  }
0x32: {  	s10 =	sld [smem:$0x3FAF];
	_ =	sdelay $0x3  }
0x33: {  	p0 =	seq.s32 s10, $0x1;
	s10 =	sld [smem:$0x3FB1];
	_ =	sdelay $0x3  }
0x34: {  	[smem:$0x3FB1] =	sst s10  }
0x35: {  	s10 =	sld [smem:$0x3FB0];
	_ =	sdelay $0x3  }
0x36: {  	p1 =	seq.s32 s10, $0x1;
	s10 =	sld [smem:$0x3FB1];
	_ =	sdelay $0x3  }
0x37: {  	[smem:$0x3FB1] =	sst s10  }
0x38: {  	s10 =	sld [smem:$0x3FB2]  }
0x39: {  	_ = 	snop;
	(pc) =	sbr.ind lr, $3  }
0x3a: {  	_ = 	snop  }
0x3b: {  	_ = 	snop  }
0x3c: {  	p2 =	seq.s32 s10, $0x1;
	s10 =	sld [smem:$0x3FB1]  }
0x3d: {  	_ =	shalt  }
0x3e: {  	_ =	shalt  }
0x3f: {  	_ =	shalt  }
0x40: {  	_ =	shalt  }
0x41: {  	_ =	shalt  }
0x42: {  	_ =	shalt  }
0x43: {  	_ =	shalt  }
0x44: {  	_ =	shalt  }
0x45: {  	_ =	shalt  }
0x46: {  	_ =	shalt  }
0x47: {  	_ =	shalt  }
0x48: {  	_ =	shalt  }
0x49: {  	_ =	shalt  }
0x4a: {  	_ =	shalt  }
0x4b: {  	_ =	shalt  }
0x4c: {  	_ =	shalt  }
0x4d: {  	_ =	shalt  }
0x4e: {  	_ =	shalt  }
0x4f: {  	_ =	shalt  }
0x50: {  	_ =	shalt  }
0x51: {  	_ =	shalt  }
0x52: {  	_ =	shalt  }
0x53: {  	_ =	shalt  }
0x54: {  	_ =	shalt  }
0x55: {  	_ =	shalt  }
0x56: {  	_ =	shalt  }
0x57: {  	_ =	shalt  }
0x58: {  	_ =	shalt  }
0x59: {  	_ =	shalt  }
0x5a: {  	_ =	shalt  }
0x5b: {  	_ =	shalt  }
0x5c: {  	_ =	shalt  }
0x5d: {  	_ =	shalt  }
0x5e: {  	_ =	shalt  }
0x5f: {  	_ =	shalt  }
0x60: {  	_ =	shalt  }
0x61: {  	_ =	shalt  }
0x62: {  	_ =	shalt  }
0x63: {  	_ =	shalt  }
0x64: {  	_ =	shalt  }
0x65: {  	_ =	shalt  }
0x66: {  	_ =	shalt  }
0x67: {  	_ =	shalt  }
0x68: {  	_ =	shalt  }
0x69: {  	_ =	shalt  }
0x6a: {  	_ =	shalt  }
0x6b: {  	_ =	shalt  }
0x6c: {  	_ =	shalt  }
0x6d: {  	_ =	shalt  }
0x6e: {  	_ =	shalt  }
0x6f: {  	_ =	shalt  }
0x70: {  	_ =	shalt  }
0x71: {  	_ =	shalt  }
0x72: {  	_ =	shalt  }
0x73: {  	_ =	shalt  }
0x74: {  	_ =	shalt  }
0x75: {  	_ =	shalt  }
0x76: {  	_ =	shalt  }
0x77: {  	_ =	shalt  }
0x78: {  	_ =	shalt  }
0x79: {  	_ =	shalt  }
0x7a: {  	_ =	shalt  }
0x7b: {  	_ =	shalt  }
0x7c: {  	_ =	shalt  }
0x7d: {  	_ =	shalt  }
0x7e: {  	_ =	shalt  }
0x7f: {  	_ =	shalt  }
0x80: {  	_ =	shalt  }
0x81: {  	_ =	shalt  }
0x82: {  	_ =	shalt  }
0x83: {  	_ =	shalt  }
0x84: {  	_ =	shalt  }
0x85: {  	_ =	shalt  }
0x86: {  	_ =	shalt  }
0x87: {  	_ =	shalt  }
.Lfunc_end0:
.L_simem_size_0:
called_computation.1_lowered:
.L_overlay_start_0:
0x88: {  	s2 =	sld [smem:$0x3FD9]  }
0x89: {  	s3 =	sld [smem:$0x3FFE];
	_ =	sdelay $0x1  }
0x8a: {  	s1 =	srdreg.scid  }
0x8b: {  	s0 =	sand.u32 $0x1, s1  }
0x8c: {  	s17 =	sshll.u32 s0, $0xA;
	s2 =	sadd.s32 s3, s2  }
0x8d: {  	s2 =	sadd.s32 s2, s17  }
0x8e: {  	[smem:$0x3FBD] =	sst s2  }
0x8f: {  	_ = 	snop  }
0x90: {  	s2 =	sld [smem:$0x3FC9]  }
0x91: {  	s18 =	sld [smem:$0x3FC8];
	(tm) =	ssettm $0x1  }
0x92: {  	s4 =	sld [smem:$0x3FFB];
	_ =	sdelay $0x3  }
0x93: {  	_ =	strace s4  }
0x94: {  	s4 =	sld [smem:$0x3FFC];
	_ =	sdelay $0x3  }
0x95: {  	_ =	strace s4  }
0x96: {  	s4 =	sld [smem:$0x3FFD];
	_ =	sdelay $0x3  }
0x97: {  	_ =	strace s4  }
0x98: {  	_ =	strace $0x8FFFFFFF  }
0x99: {  	s19 =	sld [smem:$0x3FDB];
	_ =	sdelay $0x1  }
0x9a: {  	s5 =	simm.s32 $_scs_section_size  }
0x9b: {  	s6 =	simm.s32 $_size__tile_overlayer_lowered;
	s7 =	simm.s32 $_tile_overlayer_lowered  }
0x9c: {  	s22 =	simm.s32 $0x1BFF;
	s21 =	sshll.u32 s7, $0x1;
	s4 =	sadd.s32 s5, s19  }
0x9d: {  	s8 =	simm.s32 $0x0;
	s20 =	sshll.u32 s6, $0x1;
	s6 =	sadd.s32 s21, s4  }
0x9e: {  	[timem:s8], [sflag:s22] =	dma.local [hbm:s6], s20  }
0x9f: {  	_ =	swait.ge [sflag:s22], s20  }
0xa0: {  	s5 =	ssub.s32 $0x0, s20;
	[sflag:s22] =	ssyncset.done $0x0  }
0xa1: {  	[sflag:s22] =	ssyncadd.s32 s5;
	_ =	sdelay $0x1  }
0xa2: {  	s23 =	simm.s32 $0x1B8B  }
0xa3: {  	_ =	swait.ge [sflag:s23], $0x1  }
0xa4: {  	[sflag:s23] =	ssyncset.done $0x0  }
0xa5: {  	s25 =	simm.s32 $0x1B8E;
	s24 =	sld [smem:$0x3FFE];
	[sflag:s23] =	ssyncadd.s32 $0xFFFFFFFF  }
0xa6: {  	s26 =	simm.s32 $execute0_lowered;
	[smem:$0x3FD2] =	sst s25  }
0xa7: {  	s6 =	sshll.u32 s26, $0x1;
	_ =	strace $0x80000049;
	[dreg:$0x1] =	wrdreg $0xFFFFFFFF  }
0xa8: {  	s28 =	simm.s32 $_size_execute0_lowered;
	s4 =	sadd.s32 s4, s6;
	[dreg:$0x0] =	wrdreg $0x0  }
0xa9: {  	s6 =	sshll.u32 s28, $0x1;
	[dreg:$0x2] =	wrdreg s4  }
0xaa: {  	[dreg:$0x3] =	wrdreg s6  }
0xab: {  	[dreg:$0x4] =	wrdreg $0xC0  }
0xac: {  	_ =	task [dreg:s8], $0x5FFFF  }
0xad: {  	[dreg:$0x1] =	wrdreg $0xFFFFFFFF  }
0xae: {  	[dreg:$0x0] =	wrdreg $0x60  }
0xaf: {  	[dreg:$0x2] =	wrdreg s2  }
0xb0: {  	[dreg:$0x3] =	wrdreg s18  }
0xb1: {  	[dreg:$0x4] =	wrdreg s24  }
0xb2: {  	[dreg:$0x5] =	wrdreg $0x9  }
0xb3: {  	_ =	task.clear_ibuf [dreg:s8], $0x6FFFF;
	_ =	strace $0x90000049  }
0xb4: {  	s29 =	simm.s32 $0x9;
	_ =	strace $0x8000004B  }
0xb5: {  	_ =	swait.ge [sflag:s29], $0x1  }
0xb6: {  	[sflag:s29] =	ssyncadd.s32 $0xFFFFFFFF  }
0xb7: {  	_ =	strace $0x9000004B  }
0xb8: {  	_ =	sfence  }
0xb9: {  	s30 =	sld [smem:$0x0];
	_ =	sdelay $0x2  }
0xba: {  	s31 =	sshll.u32 s1, $0xD;
	s1 =	sshrl.u32 s1, $0x2  }
0xbb: {  	s3 =	sand.u32 $0x4000, s31;
	s1 =	sadd.s32 s1, s30  }
0xbc: {  	s0 =	sor.u32 s3, s0;
	s1 =	sshll.u32 s1, $0x11  }
0xbd: {  	s0 =	sor.u32 s1, s0  }
0xbe: {  	s0 =	sadd.s32 $0x8F2B, s0  }
0xbf: {  	[sflag:s0] =	ssyncadd.remote.s32 $0x1  }
0xc0: {  	_ =	sfence.sel $0xFFFF  }
0xc1: {  	[dreg:$0x0] =	wrdreg $0xFFFFFFFF;
	(pc) =	sbr.abs _section_cstart, $3  }
0xc2: {  	[dreg:$0x1] =	wrdreg $0xFFFFFFFF  }
0xc3: {  	_ =	task.clear_ibuf [dreg:s8], $0x2FFFF;
	_ =	strace $0x9FFFFFFF  }
0xc4: {  	(tm) =	ssettm $0x7FFFFFFF  }
0xc5: {  	_ =	shalt  }
tec
execute0_lowered:
.L_overlay_start_1:
0x0: {  	(tag) =	ssettag $0x1  }
0x1: {  	s3 =	rddreg [dreg:$0x0];
	s1 =	srdreg.scid  }
0x2: {  	s5 =	rddreg [dreg:$0x1];
	s0 =	stileid.u32;
	s24 =	sand.u32 $0x1, s1  }
0x3: {  	s14 =	rddreg [dreg:$0x2];
	s4 =	sshll.u32 s0, $0xA;
	s6 =	sshll.u32 s24, $0x9  }
0x4: {  	s2 =	simm.s32 $0x0;
	s1 =	rddreg [dreg:$0x3];
	s13 =	sor.u32 s6, s4  }
0x5: {  	[smem:$0x7FF] =	sst s2;
	s6 =	sshrl.u32 s13, $0x3  }
0x6: {  	_ =	strace $0x8000004A;
	s4 =	sadd.s32 s3, s6;
	s3 =	simm.s32 $0x3  }
0x7: {  	[tilespmem:s2], [sflag:$0x3] =	stream.linear.gather [hbm4b:s4+s2], $0x200, $0x38;
	[tilespmem:$0x8400] =	vst v63  }
0x8: {  	_ =	swait.ge [sflag:s3], $0x200  }
0x9: {  	[sflag:s3] =	ssyncset.done $0x0  }
0xa: {  	s5 =	sadd.s32 s5, s6;
	s6 =	simm.s32 $0x200;
	[sflag:s3] =	ssyncadd.s32 $0xFFFFFE00  }
0xb: {  	[tilespmem:s6], [sflag:$0x3] =	stream.linear.gather [hbm4b:s5+s2], $0x200, $0x38;
	[tilespmem:$0x8400] =	vst v63  }
0xc: {  	_ =	swait.ge [sflag:s3], $0x200  }
0xd: {  	s8 =	simm.s32 $0x80;
	[sflag:s3] =	ssyncset.done $0x0  }
0xe: {  	s9 =	simm.s32 $0x400;
	s7 =	sadd.s32 $0x181C00, s14;
	[sflag:s3] =	ssyncadd.s32 $0xFFFFFE00  }
0xf: {  	[tilespmem:s9], [sflag:$0x1] =	stream.indirect.gather [hbm4b:s7+s8], $0x80, s2, s8, $0xb8;
	[tilespmem:$0x8400] =	vst v63  }
0x10: {  	s10 =	simm.s32 $0x4400;
	s11 =	simm.s32 $0x1  }
0x11: {  	[tilespmem:s10], [sflag:$0x2] =	stream.indirect.gather [hbm4b:s7+s8], $0x80, s6, s8, $0xb8;
	[tilespmem:$0x8400] =	vst v63  }
0x12: {  	_ =	swait.ge [sflag:s11], $0x4000  }
0x13: {  	[sflag:s11] =	ssyncset.done $0x0  }
0x14: {  	s12 =	simm.s32 $0x2;
	[sflag:s11] =	ssyncadd.s32 $0xFFFFC000  }
0x15: {  	_ =	swait.ge [sflag:s12], $0x4000  }
0x16: {  	s25 =	sadd.s32 $0x308600, s14;
	s28 =	sshll.u32 s13, $0x4;
	[sflag:s12] =	ssyncset.done $0x0  }
0x17: {  	s13 =	sadd.s32 s25, s28;
	[sflag:s12] =	ssyncadd.s32 $0xFFFFC000  }
0x18: {  	[hbm4b:s13+s2] =	stream.linear.scatter [tilespmem:s9], [sflag:$0x3], $0x4000, $0x38;
	[tilespmem:$0x8400] =	vst v63  }
0x19: {  	_ =	swait.ge [sflag:s3], $0x4000  }
0x1a: {  	s26 =	sadd.s32 $0x348600, s14;
	[sflag:s3] =	ssyncset.done $0x0  }
0x1b: {  	s14 =	sadd.s32 s26, s28;
	[sflag:s3] =	ssyncadd.s32 $0xFFFFC000  }
0x1c: {  	[hbm4b:s14+s2] =	stream.linear.scatter [tilespmem:s10], [sflag:$0x3], $0x4000, $0x38;
	[tilespmem:$0x8400] =	vst v63  }
0x1d: {  	_ =	swait.ge [sflag:s3], $0x4000  }
0x1e: {  	[sflag:s3] =	ssyncset.done $0x0  }
0x1f: {  	[sflag:s3] =	ssyncadd.s32 $0xFFFFC000  }
0x20: {  	[tilespmem:s9], [sflag:$0x1] =	stream.indirect.gather [hbm4b:s7+s8], $0x80, s8, s8, $0xb8;
	[tilespmem:$0x8400] =	vst v63  }
0x21: {  	s15 =	simm.s32 $0x280  }
0x22: {  	[tilespmem:s10], [sflag:$0x2] =	stream.indirect.gather [hbm4b:s7+s8], $0x80, s15, s8, $0xb8;
	[tilespmem:$0x8400] =	vst v63  }
0x23: {  	_ =	swait.ge [sflag:s11], $0x4000  }
0x24: {  	[sflag:s11] =	ssyncset.done $0x0  }
0x25: {  	[sflag:s11] =	ssyncadd.s32 $0xFFFFC000  }
0x26: {  	_ =	swait.ge [sflag:s12], $0x4000  }
0x27: {  	s17 =	sor.u32 $0x800, s28;
	[sflag:s12] =	ssyncset.done $0x0  }
0x28: {  	s16 =	sadd.s32 s25, s17;
	[sflag:s12] =	ssyncadd.s32 $0xFFFFC000  }
0x29: {  	[hbm4b:s16+s2] =	stream.linear.scatter [tilespmem:s9], [sflag:$0x3], $0x4000, $0x38;
	[tilespmem:$0x8400] =	vst v63  }
0x2a: {  	_ =	swait.ge [sflag:s3], $0x4000  }
0x2b: {  	[sflag:s3] =	ssyncset.done $0x0  }
0x2c: {  	s17 =	sadd.s32 s26, s17;
	[sflag:s3] =	ssyncadd.s32 $0xFFFFC000  }
0x2d: {  	[hbm4b:s17+s2] =	stream.linear.scatter [tilespmem:s10], [sflag:$0x3], $0x4000, $0x38;
	[tilespmem:$0x8400] =	vst v63  }
0x2e: {  	_ =	swait.ge [sflag:s3], $0x4000  }
0x2f: {  	[sflag:s3] =	ssyncset.done $0x0  }
0x30: {  	s18 =	simm.s32 $0x100;
	[sflag:s3] =	ssyncadd.s32 $0xFFFFC000  }
0x31: {  	[tilespmem:s9], [sflag:$0x1] =	stream.indirect.gather [hbm4b:s7+s8], $0x80, s18, s8, $0xb8;
	[tilespmem:$0x8400] =	vst v63  }
0x32: {  	s19 =	simm.s32 $0x300  }
0x33: {  	[tilespmem:s10], [sflag:$0x2] =	stream.indirect.gather [hbm4b:s7+s8], $0x80, s19, s8, $0xb8;
	[tilespmem:$0x8400] =	vst v63  }
0x34: {  	_ =	swait.ge [sflag:s11], $0x4000  }
0x35: {  	[sflag:s11] =	ssyncset.done $0x0  }
0x36: {  	[sflag:s11] =	ssyncadd.s32 $0xFFFFC000  }
0x37: {  	_ =	swait.ge [sflag:s12], $0x4000  }
0x38: {  	s21 =	sor.u32 $0x1000, s28;
	[sflag:s12] =	ssyncset.done $0x0  }
0x39: {  	s20 =	sadd.s32 s25, s21;
	[sflag:s12] =	ssyncadd.s32 $0xFFFFC000  }
0x3a: {  	[hbm4b:s20+s2] =	stream.linear.scatter [tilespmem:s9], [sflag:$0x3], $0x4000, $0x38;
	[tilespmem:$0x8400] =	vst v63  }
0x3b: {  	_ =	swait.ge [sflag:s3], $0x4000  }
0x3c: {  	[sflag:s3] =	ssyncset.done $0x0  }
0x3d: {  	s21 =	sadd.s32 s26, s21;
	[sflag:s3] =	ssyncadd.s32 $0xFFFFC000  }
0x3e: {  	[hbm4b:s21+s2] =	stream.linear.scatter [tilespmem:s10], [sflag:$0x3], $0x4000, $0x38;
	[tilespmem:$0x8400] =	vst v63  }
0x3f: {  	_ =	swait.ge [sflag:s3], $0x4000  }
0x40: {  	[sflag:s3] =	ssyncset.done $0x0  }
0x41: {  	s22 =	simm.s32 $0x180;
	[sflag:s3] =	ssyncadd.s32 $0xFFFFC000  }
0x42: {  	[tilespmem:s9], [sflag:$0x1] =	stream.indirect.gather [hbm4b:s7+s8], $0x80, s22, s8, $0xb8;
	[tilespmem:$0x8400] =	vst v63  }
0x43: {  	s23 =	simm.s32 $0x380  }
0x44: {  	[tilespmem:s10], [sflag:$0x2] =	stream.indirect.gather [hbm4b:s7+s8], $0x80, s23, s8, $0xb8;
	[tilespmem:$0x8400] =	vst v63  }
0x45: {  	_ =	swait.ge [sflag:s11], $0x4000  }
0x46: {  	[sflag:s11] =	ssyncset.done $0x0  }
0x47: {  	s29 =	ssub.s32 $0x2, s24;
	[sflag:s11] =	ssyncadd.s32 $0xFFFFC000  }
0x48: {  	s30 =	sshrl.u32 s29, $0x1;
	_ =	swait.ge [sflag:s12], $0x4000  }
0x49: {  	s29 =	ssub.s32 s29, s30;
	s28 =	sor.u32 $0x1800, s28;
	[sflag:s12] =	ssyncset.done $0x0  }
0x4a: {  	s31 =	smax.u32 s29, $0x1;
	s24 =	sadd.s32 s25, s28;
	[sflag:s12] =	ssyncadd.s32 $0xFFFFC000  }
0x4b: {  	[hbm4b:s24+s2] =	stream.linear.scatter [tilespmem:s9], [sflag:$0x3], $0x4000, $0x38;
	[tilespmem:$0x8400] =	vst v63  }
0x4c: {  	p0 =	sne.s32 s31, $0x1;
	_ =	swait.ge [sflag:s3], $0x4000  }
.Ltmp0:
0x4d: {  	[sflag:s3] =	ssyncset.done $0x0;
	(pc) =	sbr.rel @!p0 .LBB2_2-.Ltmp0, $4  }
0x4e: {  	s25 =	sadd.s32 s26, s28;
	[sflag:s3] =	ssyncadd.s32 $0xFFFFC000  }
0x4f: {  	[hbm4b:s25+s2] =	stream.linear.scatter [tilespmem:s10], [sflag:$0x3], $0x4000, $0x38;
	[tilespmem:$0x8400] =	vst v63  }
0x50: {  	_ =	swait.ge [sflag:s3], $0x4000  }
0x51: {  	s26 =	sadd.s32 $0xFFFFFFFF, s31;
	[sflag:s3] =	ssyncset.done $0x0  }
.LBB2_1:
0x52: {  	p0 =	sne.s32 s26, $0x1;
	s26 =	sadd.s32 $0xFFFFFFFF, s26;
	[sflag:s3] =	ssyncadd.s32 $0xFFFFC000  }
0x53: {  	[tilespmem:s2], [sflag:$0x3] =	stream.linear.gather [hbm4b:s4+s2], $0x200, $0x38;
	[tilespmem:$0x8400] =	vst v63  }
0x54: {  	_ =	swait.ge [sflag:s3], $0x200  }
0x55: {  	[sflag:s3] =	ssyncset.done $0x0  }
0x56: {  	[sflag:s3] =	ssyncadd.s32 $0xFFFFFE00  }
0x57: {  	[tilespmem:s6], [sflag:$0x3] =	stream.linear.gather [hbm4b:s5+s2], $0x200, $0x38;
	[tilespmem:$0x8400] =	vst v63  }
0x58: {  	_ =	swait.ge [sflag:s3], $0x200  }
0x59: {  	[sflag:s3] =	ssyncset.done $0x0  }
0x5a: {  	[sflag:s3] =	ssyncadd.s32 $0xFFFFFE00  }
0x5b: {  	[tilespmem:s9], [sflag:$0x1] =	stream.indirect.gather [hbm4b:s7+s8], $0x80, s2, s8, $0xb8;
	[tilespmem:$0x8400] =	vst v63  }
0x5c: {  	_ = 	snop  }
0x5d: {  	[tilespmem:s10], [sflag:$0x2] =	stream.indirect.gather [hbm4b:s7+s8], $0x80, s6, s8, $0xb8;
	[tilespmem:$0x8400] =	vst v63  }
0x5e: {  	_ =	swait.ge [sflag:s11], $0x4000  }
0x5f: {  	[sflag:s11] =	ssyncset.done $0x0  }
0x60: {  	[sflag:s11] =	ssyncadd.s32 $0xFFFFC000  }
0x61: {  	_ =	swait.ge [sflag:s12], $0x4000  }
0x62: {  	[sflag:s12] =	ssyncset.done $0x0  }
0x63: {  	[sflag:s12] =	ssyncadd.s32 $0xFFFFC000  }
0x64: {  	[hbm4b:s13+s2] =	stream.linear.scatter [tilespmem:s9], [sflag:$0x3], $0x4000, $0x38;
	[tilespmem:$0x8400] =	vst v63  }
0x65: {  	_ =	swait.ge [sflag:s3], $0x4000  }
0x66: {  	[sflag:s3] =	ssyncset.done $0x0  }
0x67: {  	[sflag:s3] =	ssyncadd.s32 $0xFFFFC000  }
0x68: {  	[hbm4b:s14+s2] =	stream.linear.scatter [tilespmem:s10], [sflag:$0x3], $0x4000, $0x38;
	[tilespmem:$0x8400] =	vst v63  }
0x69: {  	_ =	swait.ge [sflag:s3], $0x4000  }
0x6a: {  	[sflag:s3] =	ssyncset.done $0x0  }
0x6b: {  	[sflag:s3] =	ssyncadd.s32 $0xFFFFC000  }
0x6c: {  	[tilespmem:s9], [sflag:$0x1] =	stream.indirect.gather [hbm4b:s7+s8], $0x80, s8, s8, $0xb8;
	[tilespmem:$0x8400] =	vst v63  }
0x6d: {  	_ = 	snop  }
0x6e: {  	[tilespmem:s10], [sflag:$0x2] =	stream.indirect.gather [hbm4b:s7+s8], $0x80, s15, s8, $0xb8;
	[tilespmem:$0x8400] =	vst v63  }
0x6f: {  	_ =	swait.ge [sflag:s11], $0x4000  }
0x70: {  	[sflag:s11] =	ssyncset.done $0x0  }
0x71: {  	[sflag:s11] =	ssyncadd.s32 $0xFFFFC000  }
0x72: {  	_ =	swait.ge [sflag:s12], $0x4000  }
0x73: {  	[sflag:s12] =	ssyncset.done $0x0  }
0x74: {  	[sflag:s12] =	ssyncadd.s32 $0xFFFFC000  }
0x75: {  	[hbm4b:s16+s2] =	stream.linear.scatter [tilespmem:s9], [sflag:$0x3], $0x4000, $0x38;
	[tilespmem:$0x8400] =	vst v63  }
0x76: {  	_ =	swait.ge [sflag:s3], $0x4000  }
0x77: {  	[sflag:s3] =	ssyncset.done $0x0  }
0x78: {  	[sflag:s3] =	ssyncadd.s32 $0xFFFFC000  }
0x79: {  	[hbm4b:s17+s2] =	stream.linear.scatter [tilespmem:s10], [sflag:$0x3], $0x4000, $0x38;
	[tilespmem:$0x8400] =	vst v63  }
0x7a: {  	_ =	swait.ge [sflag:s3], $0x4000  }
0x7b: {  	[sflag:s3] =	ssyncset.done $0x0  }
0x7c: {  	[sflag:s3] =	ssyncadd.s32 $0xFFFFC000  }
0x7d: {  	[tilespmem:s9], [sflag:$0x1] =	stream.indirect.gather [hbm4b:s7+s8], $0x80, s18, s8, $0xb8;
	[tilespmem:$0x8400] =	vst v63  }
0x7e: {  	_ = 	snop  }
0x7f: {  	[tilespmem:s10], [sflag:$0x2] =	stream.indirect.gather [hbm4b:s7+s8], $0x80, s19, s8, $0xb8;
	[tilespmem:$0x8400] =	vst v63  }
0x80: {  	_ =	swait.ge [sflag:s11], $0x4000  }
0x81: {  	[sflag:s11] =	ssyncset.done $0x0  }
0x82: {  	[sflag:s11] =	ssyncadd.s32 $0xFFFFC000  }
0x83: {  	_ =	swait.ge [sflag:s12], $0x4000  }
0x84: {  	[sflag:s12] =	ssyncset.done $0x0  }
0x85: {  	[sflag:s12] =	ssyncadd.s32 $0xFFFFC000  }
0x86: {  	[hbm4b:s20+s2] =	stream.linear.scatter [tilespmem:s9], [sflag:$0x3], $0x4000, $0x38;
	[tilespmem:$0x8400] =	vst v63  }
0x87: {  	_ =	swait.ge [sflag:s3], $0x4000  }
0x88: {  	[sflag:s3] =	ssyncset.done $0x0  }
0x89: {  	[sflag:s3] =	ssyncadd.s32 $0xFFFFC000  }
0x8a: {  	[hbm4b:s21+s2] =	stream.linear.scatter [tilespmem:s10], [sflag:$0x3], $0x4000, $0x38;
	[tilespmem:$0x8400] =	vst v63  }
0x8b: {  	_ =	swait.ge [sflag:s3], $0x4000  }
0x8c: {  	[sflag:s3] =	ssyncset.done $0x0  }
0x8d: {  	[sflag:s3] =	ssyncadd.s32 $0xFFFFC000  }
0x8e: {  	[tilespmem:s9], [sflag:$0x1] =	stream.indirect.gather [hbm4b:s7+s8], $0x80, s22, s8, $0xb8;
	[tilespmem:$0x8400] =	vst v63  }
0x8f: {  	_ = 	snop  }
0x90: {  	[tilespmem:s10], [sflag:$0x2] =	stream.indirect.gather [hbm4b:s7+s8], $0x80, s23, s8, $0xb8;
	[tilespmem:$0x8400] =	vst v63  }
0x91: {  	_ =	swait.ge [sflag:s11], $0x4000  }
0x92: {  	[sflag:s11] =	ssyncset.done $0x0  }
0x93: {  	[sflag:s11] =	ssyncadd.s32 $0xFFFFC000  }
0x94: {  	_ =	swait.ge [sflag:s12], $0x4000  }
0x95: {  	[sflag:s12] =	ssyncset.done $0x0  }
0x96: {  	[sflag:s12] =	ssyncadd.s32 $0xFFFFC000  }
0x97: {  	[hbm4b:s24+s2] =	stream.linear.scatter [tilespmem:s9], [sflag:$0x3], $0x4000, $0x38;
	[tilespmem:$0x8400] =	vst v63  }
0x98: {  	_ =	swait.ge [sflag:s3], $0x4000  }
.Ltmp1:
0x99: {  	[sflag:s3] =	ssyncset.done $0x0;
	(pc) =	sbr.rel @p0 .LBB2_1-.Ltmp1, $4  }
0x9a: {  	[sflag:s3] =	ssyncadd.s32 $0xFFFFC000  }
0x9b: {  	[hbm4b:s25+s2] =	stream.linear.scatter [tilespmem:s10], [sflag:$0x3], $0x4000, $0x38;
	[tilespmem:$0x8400] =	vst v63  }
0x9c: {  	_ =	swait.ge [sflag:s3], $0x4000  }
0x9d: {  	[sflag:s3] =	ssyncset.done $0x0  }
.LBB2_2:
0x9e: {  	[sflag:s3] =	ssyncadd.s32 $0xFFFFC000  }
0x9f: {  	_ =	sfence.sel $0x180000  }
0xa0: {  	[bflag:$0x0] =	sbarrier.arrive $0xFFFF  }
0xa1: {  	p0 =	sne.s32 s0, $0x0;
	_ =	strace $0x9000004A  }
0xa2: {  	s0 =	sadd.s32 @!p0 $0x100000, s1;
	[bflag:$0x2] =	sbarrier.arrive $0xFFFF  }
0xa3: {  	[sflag:s0] =	ssyncadd.tile.s32 @!p0 $0x1;
	_ =	shalt  }
.Lfunc_end2:
_tile_overlayer_lowered:
.L_overlay_start_2:
0xa4: {  	(tag) =	ssettag $0x2  }
0xa5: {  	s0 =	rddreg [dreg:$0x0];
	s2 =	stileid.u32  }
0xa6: {  	s1 =	rddreg [dreg:$0x1];
	p0 =	sne.s32 s2, $0x0  }
0xa7: {  	s3 =	rddreg [dreg:$0x2];
	[bflag:$0x3] =	sbarrier.arrive $0xFFFF;
	s2 =	simm.s32 @!p0 $0x1C03  }
0xa8: {  	[timem:s3], [sflag:s2] =	dma.local @!p0 [hbm:s0], s1  }
0xa9: {  	s0 =	simm.s32 @!p0 $0x3  }
0xaa: {  	_ =	swait.ge @!p0 [sflag:s0], s1  }
0xab: {  	s1 =	ssub.s32 @!p0 $0x0, s1;
	[sflag:s0] =	ssyncset.done @!p0 $0x0  }
0xac: {  	[sflag:s0] =	ssyncadd.s32 @!p0 s1  }
0xad: {  	[bflag:$0x3] =	sbarrier.arrive $0xFFFF  }
0xae: {  	_ =	shalt  }

</sc_bundles>
